<compile_context>
chip_gen: v7x
topology: tpu7x:2x2x1
jax: 0.10.2.dev20260603
libtpu: 0.0.44.dev20260713+nightly
codegen_flags: <defaults>
</compile_context>

<pallas_src>
import math

import jax
import jax.numpy as jnp
from jax import lax
from jax.experimental import pallas as pl
from jax.experimental.pallas import tpu as pltpu
from jax.experimental.pallas import tpu_sc as plsc

VOCAB = 1000000
D = 64
SCALE = math.sqrt(D)

NC, NS, L = 2, 16, 16
J = 200
I = 4096
IPT = I // NS
DPC = D // NC
NV = J * IPT
JC = 25
NCH = J // JC
CV = JC * IPT


def _body(xT_hbm, tableT_hbm, out_hbm, idx_v, gath_a, gath_b, col,
          sem_stage, sem_i, sem_g, sem_o):
    c = lax.axis_index("c")
    s = lax.axis_index("s")
    i0 = s * IPT

    def idx_fire(j, cy):
        pltpu.async_copy(xT_hbm.at[j, pl.ds(i0, IPT)],
                         idx_v.at[pl.ds(j * IPT, IPT)], sem_i)
        return cy

    lax.fori_loop(0, J, idx_fire, 0)

    def idx_drain(j, cy):
        pltpu.make_async_copy(xT_hbm.at[j, pl.ds(i0, IPT)],
                              idx_v.at[pl.ds(j * IPT, IPT)], sem_i).wait()
        return cy

    lax.fori_loop(0, J, idx_drain, 0)

    def stage_fire(dd):
        @pl.when(s == 0)
        def _():
            pltpu.async_copy(tableT_hbm.at[c * DPC + dd], col, sem_stage)

    def stage_wait(dd):
        @pl.when(s == 0)
        def _():
            pltpu.make_async_copy(tableT_hbm.at[c * DPC + dd], col,
                                  sem_stage).wait()

    stage_fire(0)
    stage_wait(0)
    plsc.subcore_barrier()

    def process_d(dd, carry):
        dglob = c * DPC + dd

        plsc.subcore_barrier()

        def g_fire(ch, buf):
            pltpu.async_copy(col.at[idx_v.at[pl.ds(ch * CV, CV)]], buf, sem_g)

        def g_drain(ch, buf):
            pltpu.make_async_copy(col.at[idx_v.at[pl.ds(ch * CV, CV)]],
                                  buf, sem_g).wait()

        def scale(buf):
            @plsc.parallel_loop(0, CV // L, step=1, unroll=4)
            def _(v):
                sl = pl.ds(v * L, L)
                buf[sl] = buf[sl] * SCALE

        def o_fire(ch, buf):
            j0 = ch * JC

            def one(j, cy):
                pltpu.async_copy(buf.at[pl.ds(j * IPT, IPT)],
                                 out_hbm.at[j0 + j, dglob, pl.ds(i0, IPT)],
                                 sem_o)
                return cy

            lax.fori_loop(0, JC, one, 0)

        def o_drain(ch, buf):
            j0 = ch * JC

            def one(j, cy):
                pltpu.make_async_copy(
                    buf.at[pl.ds(j * IPT, IPT)],
                    out_hbm.at[j0 + j, dglob, pl.ds(i0, IPT)], sem_o).wait()
                return cy

            lax.fori_loop(0, JC, one, 0)

        g_fire(0, gath_a)

        def pair(t, cy):
            ca = 2 * t
            cb = 2 * t + 1

            g_drain(ca, gath_a)

            @pl.when(t >= 1)
            def _():
                o_drain(cb - 2, gath_b)

            g_fire(cb, gath_b)
            scale(gath_a)
            o_fire(ca, gath_a)

            g_drain(cb, gath_b)
            o_drain(ca, gath_a)

            @pl.when(cb + 1 < NCH)
            def _():
                g_fire(cb + 1, gath_a)

            scale(gath_b)
            o_fire(cb, gath_b)
            return cy

        lax.fori_loop(0, NCH // 2 - 1, pair, 0)

        ca, cb = NCH - 2, NCH - 1
        g_drain(ca, gath_a)
        o_drain(cb - 2, gath_b)
        g_fire(cb, gath_b)
        scale(gath_a)
        o_fire(ca, gath_a)
        g_drain(cb, gath_b)
        plsc.subcore_barrier()

        @pl.when(dd + 1 < DPC)
        def _():
            stage_fire(dd + 1)

        o_drain(ca, gath_a)
        scale(gath_b)
        o_fire(cb, gath_b)
        o_drain(cb, gath_b)

        @pl.when(dd + 1 < DPC)
        def _():
            stage_wait(dd + 1)

        plsc.subcore_barrier()
        return carry

    lax.fori_loop(0, DPC, process_d, 0)


@jax.jit
def kernel(x, table):
    xT = x.T.astype(jnp.int32)
    tableT = table.T
    mesh = plsc.VectorSubcoreMesh(
        core_axis_name="c", subcore_axis_name="s", num_cores=NC, num_subcores=NS
    )
    out_t = pl.kernel(
        _body,
        out_type=jax.ShapeDtypeStruct((J, D, I), jnp.float32),
        mesh=mesh,
        scratch_types=[
            pltpu.VMEM((NV,), jnp.int32),
            pltpu.VMEM((CV,), jnp.float32),
            pltpu.VMEM((CV,), jnp.float32),
            pltpu.VMEM_SHARED((VOCAB,), jnp.float32),
            pltpu.SemaphoreType.DMA,
            pltpu.SemaphoreType.DMA,
            pltpu.SemaphoreType.DMA,
            pltpu.SemaphoreType.DMA,
        ],
        compiler_params=pltpu.CompilerParams(use_tc_tiling_on_sc=True),
    )(xT, tableT)
    return out_t.transpose(2, 0, 1)

# --- scband reference (transcript-rebuilt; emitter-appended) ---
"""Pipeline reference for scband-input-embeddings-73297911873818 (READ-ONLY COPY).

The authoritative reference and input builder live on the scoring server;
editing this copy changes nothing except your own understanding.
"""

import math
import jax, jax.numpy as jnp
import numpy as np

VOCAB = 1000000
D_MODEL = 64

def setup_inputs(seed: int = 0) -> dict:
    key = jax.random.key(seed)
    k1, k2 = jax.random.split(key)
    x = jax.random.randint(k1, (4096, 200), 0, VOCAB, dtype=jnp.int64 if jax.config.jax_enable_x64 else jnp.int32)
    table = jax.random.normal(k2, (VOCAB, D_MODEL), dtype=jnp.float32)
    return {"x": x, "table": table}

def reference(x, table):
    # Faithful translation of InputEmbeddings.forward: embedding lookup scaled by sqrt(d_model)
    emb = jnp.take(table, x, axis=0)
    return emb * math.sqrt(D_MODEL)

if __name__ == "__main__":
    import jax
    _d = setup_inputs()
    print(jax.jit(kernel)(*tuple(_d.values())))

</pallas_src>

<mosaic_0001>
#map = affine_map<(d0, d1) -> (0, 0)>
#map1 = affine_map<(d0, d1) -> (0, 0, 0)>
module attributes {stable_mosaic.version = 14 : i64} {
  func.func @_body(%arg0: i32, %arg1: i32, %arg2: memref<200x4096xi32, #tpu.memory_space<hbm>>, %arg3: memref<64x1000000xf32, #tpu.memory_space<hbm>>, %arg4: memref<200x64x4096xf32, #tpu.memory_space<hbm>>, %arg5: memref<51200xi32, #tpu.memory_space<vmem>>, %arg6: memref<6400xf32, #tpu.memory_space<vmem>>, %arg7: memref<6400xf32, #tpu.memory_space<vmem>>, %arg8: memref<1000000xf32, #tpu.memory_space<vmem_shared>>, %arg9: memref<!tpu.dma_semaphore, #tpu.memory_space<semaphore_mem>>, %arg10: memref<!tpu.dma_semaphore, #tpu.memory_space<semaphore_mem>>, %arg11: memref<!tpu.dma_semaphore, #tpu.memory_space<semaphore_mem>>, %arg12: memref<!tpu.dma_semaphore, #tpu.memory_space<semaphore_mem>>) attributes {dimension_semantics = [#tpu.dimension_semantics<core_parallel>, #tpu.dimension_semantics<subcore_parallel>], iteration_bounds = array<i64: 2, 16>, scalar_prefetch = 0 : i64, scratch_operands = 8 : i64, tpu.core_type = #tpu.core_type<sc_vector_subcore>, window_params = [{transform_indices = #map}, {transform_indices = #map}, {transform_indices = #map1}]} {
    %mul3A = arith.constant 256 : i32
    %mul3A_0 = arith.muli %arg1, %mul3A : i32
    %scan3A = arith.constant 0 : i32
    %scan3A_1 = arith.constant 0 : i32
    %scan3A_2 = arith.constant 200 : i32
    %scan3A_3 = arith.addi %scan3A_1, %scan3A_2 : i32
    %scan3A_4 = arith.constant 1 : i32
    scf.for %scan3A_25 = %scan3A_1 to %scan3A_3 step %scan3A_4  : i32 {
      %mul3A_26 = arith.constant 256 : i32
      %mul3A_27 = arith.muli %scan3A_25, %mul3A_26 : i32
      %dma_start3A = tpu.memref_slice %arg5[%mul3A_27] : memref<51200xi32, #tpu.memory_space<vmem>> -> memref<256xi32, #tpu.memory_space<vmem>>
      %dma_start3A_28 = tpu.memref_slice %arg2[%scan3A_25, %mul3A_0] : memref<200x4096xi32, #tpu.memory_space<hbm>> -> memref<1x256xi32, #tpu.memory_space<hbm>>
      %dma_start3A_29 = tpu.memref_squeeze %dma_start3A_28 : memref<1x256xi32, #tpu.memory_space<hbm>> -> memref<256xi32, #tpu.memory_space<hbm>>
      %dma_start3A_30 = tpu.memref_slice %arg5[%mul3A_27] : memref<51200xi32, #tpu.memory_space<vmem>> -> memref<256xi32, #tpu.memory_space<vmem>>
      %dma_start3A_31 = tpu.memref_slice %arg2[%scan3A_25, %mul3A_0] : memref<200x4096xi32, #tpu.memory_space<hbm>> -> memref<1x256xi32, #tpu.memory_space<hbm>>
      %dma_start3A_32 = tpu.memref_squeeze %dma_start3A_31 : memref<1x256xi32, #tpu.memory_space<hbm>> -> memref<256xi32, #tpu.memory_space<hbm>>
      tpu.enqueue_dma source(%dma_start3A_32 : memref<256xi32, #tpu.memory_space<hbm>>) target(%dma_start3A_30 : memref<256xi32, #tpu.memory_space<vmem>>) target_semaphore(%arg10 : memref<!tpu.dma_semaphore, #tpu.memory_space<semaphore_mem>>)
    }
    %scan3A_5 = arith.constant 200 : i32
    %scan3A_6 = arith.constant 0 : i32
    %scan3A_7 = arith.constant 0 : i32
    %scan3A_8 = arith.constant 200 : i32
    %scan3A_9 = arith.addi %scan3A_7, %scan3A_8 : i32
    %scan3A_10 = arith.constant 1 : i32
    scf.for %scan3A_25 = %scan3A_7 to %scan3A_9 step %scan3A_10  : i32 {
      %mul3A_26 = arith.constant 256 : i32
      %mul3A_27 = arith.muli %scan3A_25, %mul3A_26 : i32
      %dma_wait3A = tpu.memref_slice %arg5[%mul3A_27] : memref<51200xi32, #tpu.memory_space<vmem>> -> memref<256xi32, #tpu.memory_space<vmem>>
      %dma_wait3A_28 = tpu.memref_slice %arg2[%scan3A_25, %mul3A_0] : memref<200x4096xi32, #tpu.memory_space<hbm>> -> memref<1x256xi32, #tpu.memory_space<hbm>>
      %dma_wait3A_29 = tpu.memref_squeeze %dma_wait3A_28 : memref<1x256xi32, #tpu.memory_space<hbm>> -> memref<256xi32, #tpu.memory_space<hbm>>
      %dma_wait3A_30 = tpu.memref_slice %arg5[%mul3A_27] : memref<51200xi32, #tpu.memory_space<vmem>> -> memref<256xi32, #tpu.memory_space<vmem>>
      %dma_wait3A_31 = tpu.memref_slice %arg2[%scan3A_25, %mul3A_0] : memref<200x4096xi32, #tpu.memory_space<hbm>> -> memref<1x256xi32, #tpu.memory_space<hbm>>
      %dma_wait3A_32 = tpu.memref_squeeze %dma_wait3A_31 : memref<1x256xi32, #tpu.memory_space<hbm>> -> memref<256xi32, #tpu.memory_space<hbm>>
      tpu.wait_dma2 semaphore(%arg10 : memref<!tpu.dma_semaphore, #tpu.memory_space<semaphore_mem>>) src(%dma_wait3A_32 : memref<256xi32, #tpu.memory_space<hbm>>) dst(%dma_wait3A_30 : memref<256xi32, #tpu.memory_space<vmem>>)
    }
    %scan3A_11 = arith.constant 200 : i32
    %eq3A = arith.constant 0 : i32
    %eq3A_12 = arith.cmpi eq, %arg1, %eq3A : i32
    %convert_element_type3A = arith.extui %eq3A_12 : i1 to i32
    %cond3A = arith.constant 0 : i32
    %cond3A_13 = arith.cmpi ne, %convert_element_type3A, %cond3A : i32
    scf.if %cond3A_13 {
      %mul3A_25 = arith.constant 32 : i32
      %mul3A_26 = arith.muli %arg0, %mul3A_25 : i32
      %add3A = arith.constant 0 : i32
      %add3A_27 = arith.addi %mul3A_26, %add3A : i32
      %dma_start3A = arith.constant 0 : i32
      %dma_start3A_28 = tpu.memref_slice %arg3[%add3A_27, %dma_start3A] : memref<64x1000000xf32, #tpu.memory_space<hbm>> -> memref<1x1000000xf32, #tpu.memory_space<hbm>>
      %dma_start3A_29 = tpu.memref_squeeze %dma_start3A_28 : memref<1x1000000xf32, #tpu.memory_space<hbm>> -> memref<1000000xf32, #tpu.memory_space<hbm>>
      tpu.enqueue_dma source(%dma_start3A_29 : memref<1000000xf32, #tpu.memory_space<hbm>>) target(%arg8 : memref<1000000xf32, #tpu.memory_space<vmem_shared>>) target_semaphore(%arg9 : memref<!tpu.dma_semaphore, #tpu.memory_space<semaphore_mem>>)
    } else {
    }
    %eq3A_14 = arith.constant 0 : i32
    %eq3A_15 = arith.cmpi eq, %arg1, %eq3A_14 : i32
    %convert_element_type3A_16 = arith.extui %eq3A_15 : i1 to i32
    %cond3A_17 = arith.constant 0 : i32
    %cond3A_18 = arith.cmpi ne, %convert_element_type3A_16, %cond3A_17 : i32
    scf.if %cond3A_18 {
      %mul3A_25 = arith.constant 32 : i32
      %mul3A_26 = arith.muli %arg0, %mul3A_25 : i32
      %add3A = arith.constant 0 : i32
      %add3A_27 = arith.addi %mul3A_26, %add3A : i32
      %dma_wait3A = arith.constant 0 : i32
      %dma_wait3A_28 = tpu.memref_slice %arg3[%add3A_27, %dma_wait3A] : memref<64x1000000xf32, #tpu.memory_space<hbm>> -> memref<1x1000000xf32, #tpu.memory_space<hbm>>
      %dma_wait3A_29 = tpu.memref_squeeze %dma_wait3A_28 : memref<1x1000000xf32, #tpu.memory_space<hbm>> -> memref<1000000xf32, #tpu.memory_space<hbm>>
      tpu.wait_dma2 semaphore(%arg9 : memref<!tpu.dma_semaphore, #tpu.memory_space<semaphore_mem>>) src(%dma_wait3A_29 : memref<1000000xf32, #tpu.memory_space<hbm>>) dst(%arg8 : memref<1000000xf32, #tpu.memory_space<vmem_shared>>)
    } else {
    }
    %barrier3A = arith.constant 0 : index
    tpu.barrier barrier_id(%barrier3A)
    %scan3A_19 = arith.constant 0 : i32
    %scan3A_20 = arith.constant 0 : i32
    %scan3A_21 = arith.constant 32 : i32
    %scan3A_22 = arith.addi %scan3A_20, %scan3A_21 : i32
    %scan3A_23 = arith.constant 1 : i32
    scf.for %scan3A_25 = %scan3A_20 to %scan3A_22 step %scan3A_23  : i32 {
      %mul3A_26 = arith.constant 32 : i32
      %mul3A_27 = arith.muli %arg0, %mul3A_26 : i32
      %add3A = arith.addi %mul3A_27, %scan3A_25 : i32
      %barrier3A_28 = arith.constant 0 : index
      tpu.barrier barrier_id(%barrier3A_28)
      %dma_start3A = arith.constant 0 : i32
      %dma_start3A_29 = tpu.memref_slice %arg5[%dma_start3A] : memref<51200xi32, #tpu.memory_space<vmem>> -> memref<6400xi32, #tpu.memory_space<vmem>>
      %dma_start3A_30 = arith.constant 0 : i32
      %dma_start3A_31 = tpu.memref_slice %arg8[%dma_start3A_30] : memref<1000000xf32, #tpu.memory_space<vmem_shared>> -> memref<1000000xf32, #tpu.memory_space<vmem_shared>>
      tpu.enqueue_indirect_dma source(%dma_start3A_31 : memref<1000000xf32, #tpu.memory_space<vmem_shared>>) target(%arg6 : memref<6400xf32, #tpu.memory_space<vmem>>) offsets(%dma_start3A_29 : memref<6400xi32, #tpu.memory_space<vmem>>) semaphore(%arg11 : memref<!tpu.dma_semaphore, #tpu.memory_space<semaphore_mem>>)
      %scan3A_32 = arith.constant 0 : i32
      %scan3A_33 = arith.constant 0 : i32
      %scan3A_34 = arith.constant 3 : i32
      %scan3A_35 = arith.addi %scan3A_33, %scan3A_34 : i32
      %scan3A_36 = arith.constant 1 : i32
      scf.for %scan3A_99 = %scan3A_33 to %scan3A_35 step %scan3A_36  : i32 {
        %mul3A_100 = arith.constant 2 : i32
        %mul3A_101 = arith.muli %mul3A_100, %scan3A_99 : i32
        %mul3A_102 = arith.constant 2 : i32
        %mul3A_103 = arith.muli %mul3A_102, %scan3A_99 : i32
        %add3A_104 = arith.constant 1 : i32
        %add3A_105 = arith.addi %mul3A_103, %add3A_104 : i32
        %mul3A_106 = arith.constant 6400 : i32
        %mul3A_107 = arith.muli %mul3A_101, %mul3A_106 : i32
        %dma_wait3A_108 = tpu.memref_slice %arg5[%mul3A_107] : memref<51200xi32, #tpu.memory_space<vmem>> -> memref<6400xi32, #tpu.memory_space<vmem>>
        %dma_wait3A_109 = arith.constant 0 : i32
        %dma_wait3A_110 = tpu.memref_slice %arg8[%dma_wait3A_109] : memref<1000000xf32, #tpu.memory_space<vmem_shared>> -> memref<1000000xf32, #tpu.memory_space<vmem_shared>>
        tpu.wait_indirect_dma semaphore(%arg11 : memref<!tpu.dma_semaphore, #tpu.memory_space<semaphore_mem>>) src(%dma_wait3A_110 : memref<1000000xf32, #tpu.memory_space<vmem_shared>>) dst(%arg6 : memref<6400xf32, #tpu.memory_space<vmem>>)
        %ge3A = arith.constant 1 : i32
        %ge3A_111 = arith.cmpi sge, %scan3A_99, %ge3A : i32
        %convert_element_type3A_112 = arith.extui %ge3A_111 : i1 to i32
        %cond3A_113 = arith.constant 0 : i32
        %cond3A_114 = arith.cmpi ne, %convert_element_type3A_112, %cond3A_113 : i32
        scf.if %cond3A_114 {
          %sub3A = arith.constant 2 : i32
          %sub3A_162 = arith.subi %add3A_105, %sub3A : i32
          %mul3A_163 = arith.constant 25 : i32
          %mul3A_164 = arith.muli %sub3A_162, %mul3A_163 : i32
          %scan3A_165 = arith.constant 0 : i32
          %scan3A_166 = arith.constant 0 : i32
          %scan3A_167 = arith.constant 25 : i32
          %scan3A_168 = arith.addi %scan3A_166, %scan3A_167 : i32
          %scan3A_169 = arith.constant 1 : i32
          scf.for %scan3A_171 = %scan3A_166 to %scan3A_168 step %scan3A_169  : i32 {
            %mul3A_172 = arith.constant 256 : i32
            %mul3A_173 = arith.muli %scan3A_171, %mul3A_172 : i32
            %add3A_174 = arith.addi %mul3A_164, %scan3A_171 : i32
            %dma_wait3A_175 = tpu.memref_slice %arg7[%mul3A_173] : memref<6400xf32, #tpu.memory_space<vmem>> -> memref<256xf32, #tpu.memory_space<vmem>>
            %dma_wait3A_176 = tpu.memref_slice %arg4[%add3A_174, %add3A, %mul3A_0] : memref<200x64x4096xf32, #tpu.memory_space<hbm>> -> memref<1x1x256xf32, #tpu.memory_space<hbm>>
            %dma_wait3A_177 = tpu.memref_squeeze %dma_wait3A_176 : memref<1x1x256xf32, #tpu.memory_space<hbm>> -> memref<256xf32, #tpu.memory_space<hbm>>
            %dma_wait3A_178 = tpu.memref_slice %arg4[%add3A_174, %add3A, %mul3A_0] : memref<200x64x4096xf32, #tpu.memory_space<hbm>> -> memref<1x1x256xf32, #tpu.memory_space<hbm>>
            %dma_wait3A_179 = tpu.memref_squeeze %dma_wait3A_178 : memref<1x1x256xf32, #tpu.memory_space<hbm>> -> memref<256xf32, #tpu.memory_space<hbm>>
            %dma_wait3A_180 = tpu.memref_slice %arg7[%mul3A_173] : memref<6400xf32, #tpu.memory_space<vmem>> -> memref<256xf32, #tpu.memory_space<vmem>>
            tpu.wait_dma2 semaphore(%arg12 : memref<!tpu.dma_semaphore, #tpu.memory_space<semaphore_mem>>) src(%dma_wait3A_180 : memref<256xf32, #tpu.memory_space<vmem>>) dst(%dma_wait3A_179 : memref<256xf32, #tpu.memory_space<hbm>>)
          }
          %scan3A_170 = arith.constant 25 : i32
        } else {
        }
        %mul3A_115 = arith.constant 6400 : i32
        %mul3A_116 = arith.muli %add3A_105, %mul3A_115 : i32
        %dma_start3A_117 = tpu.memref_slice %arg5[%mul3A_116] : memref<51200xi32, #tpu.memory_space<vmem>> -> memref<6400xi32, #tpu.memory_space<vmem>>
        %dma_start3A_118 = arith.constant 0 : i32
        %dma_start3A_119 = tpu.memref_slice %arg8[%dma_start3A_118] : memref<1000000xf32, #tpu.memory_space<vmem_shared>> -> memref<1000000xf32, #tpu.memory_space<vmem_shared>>
        tpu.enqueue_indirect_dma source(%dma_start3A_119 : memref<1000000xf32, #tpu.memory_space<vmem_shared>>) target(%arg7 : memref<6400xf32, #tpu.memory_space<vmem>>) offsets(%dma_start3A_117 : memref<6400xi32, #tpu.memory_space<vmem>>) semaphore(%arg11 : memref<!tpu.dma_semaphore, #tpu.memory_space<semaphore_mem>>)
        %parallel_loop3A_120 = arith.constant 0 : i32
        %parallel_loop3A_121 = arith.constant 400 : i32
        %parallel_loop3A_122 = arith.constant 1 : i32
        scf.for %parallel_loop3A_162 = %parallel_loop3A_120 to %parallel_loop3A_121 step %parallel_loop3A_122  : i32 {
          %parallel_loop3A_163 = arith.constant 16 : i32
          %parallel_loop3A_164 = arith.muli %parallel_loop3A_162, %parallel_loop3A_163 : i32
          %parallel_loop3A_165 = arith.index_cast %parallel_loop3A_164 : i32 to index
          %parallel_loop3A_166 = tpu.vector_load %arg6[%parallel_loop3A_165] {strides = array<i32>} : memref<6400xf32, #tpu.memory_space<vmem>>, vector<16xf32>,
          %parallel_loop3A_167 = vector.shape_cast %parallel_loop3A_166 : vector<16xf32> to vector<16xf32>
          %parallel_loop3A_168 = arith.constant 8.000000e+00 : f32
          %parallel_loop3A_169 = vector.broadcast %parallel_loop3A_168 : f32 to vector<16xf32>
          %parallel_loop3A_170 = arith.mulf %parallel_loop3A_167, %parallel_loop3A_169 : vector<16xf32>
          %parallel_loop3A_171 = arith.index_cast %parallel_loop3A_164 : i32 to index
          %parallel_loop3A_172 = tpu.vector_load %arg6[%parallel_loop3A_171] {strides = array<i32>} : memref<6400xf32, #tpu.memory_space<vmem>>, vector<16xf32>,
          %parallel_loop3A_173 = vector.shape_cast %parallel_loop3A_172 : vector<16xf32> to vector<16xf32>
          %parallel_loop3A_174 = vector.shape_cast %parallel_loop3A_170 : vector<16xf32> to vector<16xf32>
          tpu.vector_store %arg6[%parallel_loop3A_171], %parallel_loop3A_174 {strides = array<i32>} : memref<6400xf32, #tpu.memory_space<vmem>>, vector<16xf32>,
        } {sc.loop_unroll_factor = 4 : i64, sc.parallel_access}
        %mul3A_123 = arith.constant 25 : i32
        %mul3A_124 = arith.muli %mul3A_101, %mul3A_123 : i32
        %scan3A_125 = arith.constant 0 : i32
        %scan3A_126 = arith.constant 0 : i32
        %scan3A_127 = arith.constant 25 : i32
        %scan3A_128 = arith.addi %scan3A_126, %scan3A_127 : i32
        %scan3A_129 = arith.constant 1 : i32
        scf.for %scan3A_162 = %scan3A_126 to %scan3A_128 step %scan3A_129  : i32 {
          %mul3A_163 = arith.constant 256 : i32
          %mul3A_164 = arith.muli %scan3A_162, %mul3A_163 : i32
          %add3A_165 = arith.addi %mul3A_124, %scan3A_162 : i32
          %dma_start3A_166 = tpu.memref_slice %arg6[%mul3A_164] : memref<6400xf32, #tpu.memory_space<vmem>> -> memref<256xf32, #tpu.memory_space<vmem>>
          %dma_start3A_167 = tpu.memref_slice %arg4[%add3A_165, %add3A, %mul3A_0] : memref<200x64x4096xf32, #tpu.memory_space<hbm>> -> memref<1x1x256xf32, #tpu.memory_space<hbm>>
          %dma_start3A_168 = tpu.memref_squeeze %dma_start3A_167 : memref<1x1x256xf32, #tpu.memory_space<hbm>> -> memref<256xf32, #tpu.memory_space<hbm>>
          %dma_start3A_169 = tpu.memref_slice %arg4[%add3A_165, %add3A, %mul3A_0] : memref<200x64x4096xf32, #tpu.memory_space<hbm>> -> memref<1x1x256xf32, #tpu.memory_space<hbm>>
          %dma_start3A_170 = tpu.memref_squeeze %dma_start3A_169 : memref<1x1x256xf32, #tpu.memory_space<hbm>> -> memref<256xf32, #tpu.memory_space<hbm>>
          %dma_start3A_171 = tpu.memref_slice %arg6[%mul3A_164] : memref<6400xf32, #tpu.memory_space<vmem>> -> memref<256xf32, #tpu.memory_space<vmem>>
          tpu.enqueue_dma source(%dma_start3A_171 : memref<256xf32, #tpu.memory_space<vmem>>) target(%dma_start3A_170 : memref<256xf32, #tpu.memory_space<hbm>>) target_semaphore(%arg12 : memref<!tpu.dma_semaphore, #tpu.memory_space<semaphore_mem>>)
        }
        %scan3A_130 = arith.constant 25 : i32
        %mul3A_131 = arith.constant 6400 : i32
        %mul3A_132 = arith.muli %add3A_105, %mul3A_131 : i32
        %dma_wait3A_133 = tpu.memref_slice %arg5[%mul3A_132] : memref<51200xi32, #tpu.memory_space<vmem>> -> memref<6400xi32, #tpu.memory_space<vmem>>
        %dma_wait3A_134 = arith.constant 0 : i32
        %dma_wait3A_135 = tpu.memref_slice %arg8[%dma_wait3A_134] : memref<1000000xf32, #tpu.memory_space<vmem_shared>> -> memref<1000000xf32, #tpu.memory_space<vmem_shared>>
        tpu.wait_indirect_dma semaphore(%arg11 : memref<!tpu.dma_semaphore, #tpu.memory_space<semaphore_mem>>) src(%dma_wait3A_135 : memref<1000000xf32, #tpu.memory_space<vmem_shared>>) dst(%arg7 : memref<6400xf32, #tpu.memory_space<vmem>>)
        %mul3A_136 = arith.constant 25 : i32
        %mul3A_137 = arith.muli %mul3A_101, %mul3A_136 : i32
        %scan3A_138 = arith.constant 0 : i32
        %scan3A_139 = arith.constant 0 : i32
        %scan3A_140 = arith.constant 25 : i32
        %scan3A_141 = arith.addi %scan3A_139, %scan3A_140 : i32
        %scan3A_142 = arith.constant 1 : i32
        scf.for %scan3A_162 = %scan3A_139 to %scan3A_141 step %scan3A_142  : i32 {
          %mul3A_163 = arith.constant 256 : i32
          %mul3A_164 = arith.muli %scan3A_162, %mul3A_163 : i32
          %add3A_165 = arith.addi %mul3A_137, %scan3A_162 : i32
          %dma_wait3A_166 = tpu.memref_slice %arg6[%mul3A_164] : memref<6400xf32, #tpu.memory_space<vmem>> -> memref<256xf32, #tpu.memory_space<vmem>>
          %dma_wait3A_167 = tpu.memref_slice %arg4[%add3A_165, %add3A, %mul3A_0] : memref<200x64x4096xf32, #tpu.memory_space<hbm>> -> memref<1x1x256xf32, #tpu.memory_space<hbm>>
          %dma_wait3A_168 = tpu.memref_squeeze %dma_wait3A_167 : memref<1x1x256xf32, #tpu.memory_space<hbm>> -> memref<256xf32, #tpu.memory_space<hbm>>
          %dma_wait3A_169 = tpu.memref_slice %arg4[%add3A_165, %add3A, %mul3A_0] : memref<200x64x4096xf32, #tpu.memory_space<hbm>> -> memref<1x1x256xf32, #tpu.memory_space<hbm>>
          %dma_wait3A_170 = tpu.memref_squeeze %dma_wait3A_169 : memref<1x1x256xf32, #tpu.memory_space<hbm>> -> memref<256xf32, #tpu.memory_space<hbm>>
          %dma_wait3A_171 = tpu.memref_slice %arg6[%mul3A_164] : memref<6400xf32, #tpu.memory_space<vmem>> -> memref<256xf32, #tpu.memory_space<vmem>>
          tpu.wait_dma2 semaphore(%arg12 : memref<!tpu.dma_semaphore, #tpu.memory_space<semaphore_mem>>) src(%dma_wait3A_171 : memref<256xf32, #tpu.memory_space<vmem>>) dst(%dma_wait3A_170 : memref<256xf32, #tpu.memory_space<hbm>>)
        }
        %scan3A_143 = arith.constant 25 : i32
        %add3A_144 = arith.constant 1 : i32
        %add3A_145 = arith.addi %add3A_105, %add3A_144 : i32
        %lt3A_146 = arith.constant 8 : i32
        %lt3A_147 = arith.cmpi slt, %add3A_145, %lt3A_146 : i32
        %convert_element_type3A_148 = arith.extui %lt3A_147 : i1 to i32
        %cond3A_149 = arith.constant 0 : i32
        %cond3A_150 = arith.cmpi ne, %convert_element_type3A_148, %cond3A_149 : i32
        scf.if %cond3A_150 {
          %add3A_162 = arith.constant 1 : i32
          %add3A_163 = arith.addi %add3A_105, %add3A_162 : i32
          %mul3A_164 = arith.constant 6400 : i32
          %mul3A_165 = arith.muli %add3A_163, %mul3A_164 : i32
          %dma_start3A_166 = tpu.memref_slice %arg5[%mul3A_165] : memref<51200xi32, #tpu.memory_space<vmem>> -> memref<6400xi32, #tpu.memory_space<vmem>>
          %dma_start3A_167 = arith.constant 0 : i32
          %dma_start3A_168 = tpu.memref_slice %arg8[%dma_start3A_167] : memref<1000000xf32, #tpu.memory_space<vmem_shared>> -> memref<1000000xf32, #tpu.memory_space<vmem_shared>>
          tpu.enqueue_indirect_dma source(%dma_start3A_168 : memref<1000000xf32, #tpu.memory_space<vmem_shared>>) target(%arg6 : memref<6400xf32, #tpu.memory_space<vmem>>) offsets(%dma_start3A_166 : memref<6400xi32, #tpu.memory_space<vmem>>) semaphore(%arg11 : memref<!tpu.dma_semaphore, #tpu.memory_space<semaphore_mem>>)
        } else {
        }
        %parallel_loop3A_151 = arith.constant 0 : i32
        %parallel_loop3A_152 = arith.constant 400 : i32
        %parallel_loop3A_153 = arith.constant 1 : i32
        scf.for %parallel_loop3A_162 = %parallel_loop3A_151 to %parallel_loop3A_152 step %parallel_loop3A_153  : i32 {
          %parallel_loop3A_163 = arith.constant 16 : i32
          %parallel_loop3A_164 = arith.muli %parallel_loop3A_162, %parallel_loop3A_163 : i32
          %parallel_loop3A_165 = arith.index_cast %parallel_loop3A_164 : i32 to index
          %parallel_loop3A_166 = tpu.vector_load %arg7[%parallel_loop3A_165] {strides = array<i32>} : memref<6400xf32, #tpu.memory_space<vmem>>, vector<16xf32>,
          %parallel_loop3A_167 = vector.shape_cast %parallel_loop3A_166 : vector<16xf32> to vector<16xf32>
          %parallel_loop3A_168 = arith.constant 8.000000e+00 : f32
          %parallel_loop3A_169 = vector.broadcast %parallel_loop3A_168 : f32 to vector<16xf32>
          %parallel_loop3A_170 = arith.mulf %parallel_loop3A_167, %parallel_loop3A_169 : vector<16xf32>
          %parallel_loop3A_171 = arith.index_cast %parallel_loop3A_164 : i32 to index
          %parallel_loop3A_172 = tpu.vector_load %arg7[%parallel_loop3A_171] {strides = array<i32>} : memref<6400xf32, #tpu.memory_space<vmem>>, vector<16xf32>,
          %parallel_loop3A_173 = vector.shape_cast %parallel_loop3A_172 : vector<16xf32> to vector<16xf32>
          %parallel_loop3A_174 = vector.shape_cast %parallel_loop3A_170 : vector<16xf32> to vector<16xf32>
          tpu.vector_store %arg7[%parallel_loop3A_171], %parallel_loop3A_174 {strides = array<i32>} : memref<6400xf32, #tpu.memory_space<vmem>>, vector<16xf32>,
        } {sc.loop_unroll_factor = 4 : i64, sc.parallel_access}
        %mul3A_154 = arith.constant 25 : i32
        %mul3A_155 = arith.muli %add3A_105, %mul3A_154 : i32
        %scan3A_156 = arith.constant 0 : i32
        %scan3A_157 = arith.constant 0 : i32
        %scan3A_158 = arith.constant 25 : i32
        %scan3A_159 = arith.addi %scan3A_157, %scan3A_158 : i32
        %scan3A_160 = arith.constant 1 : i32
        scf.for %scan3A_162 = %scan3A_157 to %scan3A_159 step %scan3A_160  : i32 {
          %mul3A_163 = arith.constant 256 : i32
          %mul3A_164 = arith.muli %scan3A_162, %mul3A_163 : i32
          %add3A_165 = arith.addi %mul3A_155, %scan3A_162 : i32
          %dma_start3A_166 = tpu.memref_slice %arg7[%mul3A_164] : memref<6400xf32, #tpu.memory_space<vmem>> -> memref<256xf32, #tpu.memory_space<vmem>>
          %dma_start3A_167 = tpu.memref_slice %arg4[%add3A_165, %add3A, %mul3A_0] : memref<200x64x4096xf32, #tpu.memory_space<hbm>> -> memref<1x1x256xf32, #tpu.memory_space<hbm>>
          %dma_start3A_168 = tpu.memref_squeeze %dma_start3A_167 : memref<1x1x256xf32, #tpu.memory_space<hbm>> -> memref<256xf32, #tpu.memory_space<hbm>>
          %dma_start3A_169 = tpu.memref_slice %arg4[%add3A_165, %add3A, %mul3A_0] : memref<200x64x4096xf32, #tpu.memory_space<hbm>> -> memref<1x1x256xf32, #tpu.memory_space<hbm>>
          %dma_start3A_170 = tpu.memref_squeeze %dma_start3A_169 : memref<1x1x256xf32, #tpu.memory_space<hbm>> -> memref<256xf32, #tpu.memory_space<hbm>>
          %dma_start3A_171 = tpu.memref_slice %arg7[%mul3A_164] : memref<6400xf32, #tpu.memory_space<vmem>> -> memref<256xf32, #tpu.memory_space<vmem>>
          tpu.enqueue_dma source(%dma_start3A_171 : memref<256xf32, #tpu.memory_space<vmem>>) target(%dma_start3A_170 : memref<256xf32, #tpu.memory_space<hbm>>) target_semaphore(%arg12 : memref<!tpu.dma_semaphore, #tpu.memory_space<semaphore_mem>>)
        }
        %scan3A_161 = arith.constant 25 : i32
      }
      %scan3A_37 = arith.constant 3 : i32
      %dma_wait3A = arith.constant 38400 : i32
      %dma_wait3A_38 = tpu.memref_slice %arg5[%dma_wait3A] : memref<51200xi32, #tpu.memory_space<vmem>> -> memref<6400xi32, #tpu.memory_space<vmem>>
      %dma_wait3A_39 = arith.constant 0 : i32
      %dma_wait3A_40 = tpu.memref_slice %arg8[%dma_wait3A_39] : memref<1000000xf32, #tpu.memory_space<vmem_shared>> -> memref<1000000xf32, #tpu.memory_space<vmem_shared>>
      tpu.wait_indirect_dma semaphore(%arg11 : memref<!tpu.dma_semaphore, #tpu.memory_space<semaphore_mem>>) src(%dma_wait3A_40 : memref<1000000xf32, #tpu.memory_space<vmem_shared>>) dst(%arg6 : memref<6400xf32, #tpu.memory_space<vmem>>)
      %scan3A_41 = arith.constant 0 : i32
      %scan3A_42 = arith.constant 0 : i32
      %scan3A_43 = arith.constant 25 : i32
      %scan3A_44 = arith.addi %scan3A_42, %scan3A_43 : i32
      %scan3A_45 = arith.constant 1 : i32
      scf.for %scan3A_99 = %scan3A_42 to %scan3A_44 step %scan3A_45  : i32 {
        %mul3A_100 = arith.constant 256 : i32
        %mul3A_101 = arith.muli %scan3A_99, %mul3A_100 : i32
        %add3A_102 = arith.constant 125 : i32
        %add3A_103 = arith.addi %add3A_102, %scan3A_99 : i32
        %dma_wait3A_104 = tpu.memref_slice %arg7[%mul3A_101] : memref<6400xf32, #tpu.memory_space<vmem>> -> memref<256xf32, #tpu.memory_space<vmem>>
        %dma_wait3A_105 = tpu.memref_slice %arg4[%add3A_103, %add3A, %mul3A_0] : memref<200x64x4096xf32, #tpu.memory_space<hbm>> -> memref<1x1x256xf32, #tpu.memory_space<hbm>>
        %dma_wait3A_106 = tpu.memref_squeeze %dma_wait3A_105 : memref<1x1x256xf32, #tpu.memory_space<hbm>> -> memref<256xf32, #tpu.memory_space<hbm>>
        %dma_wait3A_107 = tpu.memref_slice %arg4[%add3A_103, %add3A, %mul3A_0] : memref<200x64x4096xf32, #tpu.memory_space<hbm>> -> memref<1x1x256xf32, #tpu.memory_space<hbm>>
        %dma_wait3A_108 = tpu.memref_squeeze %dma_wait3A_107 : memref<1x1x256xf32, #tpu.memory_space<hbm>> -> memref<256xf32, #tpu.memory_space<hbm>>
        %dma_wait3A_109 = tpu.memref_slice %arg7[%mul3A_101] : memref<6400xf32, #tpu.memory_space<vmem>> -> memref<256xf32, #tpu.memory_space<vmem>>
        tpu.wait_dma2 semaphore(%arg12 : memref<!tpu.dma_semaphore, #tpu.memory_space<semaphore_mem>>) src(%dma_wait3A_109 : memref<256xf32, #tpu.memory_space<vmem>>) dst(%dma_wait3A_108 : memref<256xf32, #tpu.memory_space<hbm>>)
      }
      %scan3A_46 = arith.constant 25 : i32
      %dma_start3A_47 = arith.constant 44800 : i32
      %dma_start3A_48 = tpu.memref_slice %arg5[%dma_start3A_47] : memref<51200xi32, #tpu.memory_space<vmem>> -> memref<6400xi32, #tpu.memory_space<vmem>>
      %dma_start3A_49 = arith.constant 0 : i32
      %dma_start3A_50 = tpu.memref_slice %arg8[%dma_start3A_49] : memref<1000000xf32, #tpu.memory_space<vmem_shared>> -> memref<1000000xf32, #tpu.memory_space<vmem_shared>>
      tpu.enqueue_indirect_dma source(%dma_start3A_50 : memref<1000000xf32, #tpu.memory_space<vmem_shared>>) target(%arg7 : memref<6400xf32, #tpu.memory_space<vmem>>) offsets(%dma_start3A_48 : memref<6400xi32, #tpu.memory_space<vmem>>) semaphore(%arg11 : memref<!tpu.dma_semaphore, #tpu.memory_space<semaphore_mem>>)
      %parallel_loop3A = arith.constant 0 : i32
      %parallel_loop3A_51 = arith.constant 400 : i32
      %parallel_loop3A_52 = arith.constant 1 : i32
      scf.for %parallel_loop3A_99 = %parallel_loop3A to %parallel_loop3A_51 step %parallel_loop3A_52  : i32 {
        %parallel_loop3A_100 = arith.constant 16 : i32
        %parallel_loop3A_101 = arith.muli %parallel_loop3A_99, %parallel_loop3A_100 : i32
        %parallel_loop3A_102 = arith.index_cast %parallel_loop3A_101 : i32 to index
        %parallel_loop3A_103 = tpu.vector_load %arg6[%parallel_loop3A_102] {strides = array<i32>} : memref<6400xf32, #tpu.memory_space<vmem>>, vector<16xf32>,
        %parallel_loop3A_104 = vector.shape_cast %parallel_loop3A_103 : vector<16xf32> to vector<16xf32>
        %parallel_loop3A_105 = arith.constant 8.000000e+00 : f32
        %parallel_loop3A_106 = vector.broadcast %parallel_loop3A_105 : f32 to vector<16xf32>
        %parallel_loop3A_107 = arith.mulf %parallel_loop3A_104, %parallel_loop3A_106 : vector<16xf32>
        %parallel_loop3A_108 = arith.index_cast %parallel_loop3A_101 : i32 to index
        %parallel_loop3A_109 = tpu.vector_load %arg6[%parallel_loop3A_108] {strides = array<i32>} : memref<6400xf32, #tpu.memory_space<vmem>>, vector<16xf32>,
        %parallel_loop3A_110 = vector.shape_cast %parallel_loop3A_109 : vector<16xf32> to vector<16xf32>
        %parallel_loop3A_111 = vector.shape_cast %parallel_loop3A_107 : vector<16xf32> to vector<16xf32>
        tpu.vector_store %arg6[%parallel_loop3A_108], %parallel_loop3A_111 {strides = array<i32>} : memref<6400xf32, #tpu.memory_space<vmem>>, vector<16xf32>,
      } {sc.loop_unroll_factor = 4 : i64, sc.parallel_access}
      %scan3A_53 = arith.constant 0 : i32
      %scan3A_54 = arith.constant 0 : i32
      %scan3A_55 = arith.constant 25 : i32
      %scan3A_56 = arith.addi %scan3A_54, %scan3A_55 : i32
      %scan3A_57 = arith.constant 1 : i32
      scf.for %scan3A_99 = %scan3A_54 to %scan3A_56 step %scan3A_57  : i32 {
        %mul3A_100 = arith.constant 256 : i32
        %mul3A_101 = arith.muli %scan3A_99, %mul3A_100 : i32
        %add3A_102 = arith.constant 150 : i32
        %add3A_103 = arith.addi %add3A_102, %scan3A_99 : i32
        %dma_start3A_104 = tpu.memref_slice %arg6[%mul3A_101] : memref<6400xf32, #tpu.memory_space<vmem>> -> memref<256xf32, #tpu.memory_space<vmem>>
        %dma_start3A_105 = tpu.memref_slice %arg4[%add3A_103, %add3A, %mul3A_0] : memref<200x64x4096xf32, #tpu.memory_space<hbm>> -> memref<1x1x256xf32, #tpu.memory_space<hbm>>
        %dma_start3A_106 = tpu.memref_squeeze %dma_start3A_105 : memref<1x1x256xf32, #tpu.memory_space<hbm>> -> memref<256xf32, #tpu.memory_space<hbm>>
        %dma_start3A_107 = tpu.memref_slice %arg4[%add3A_103, %add3A, %mul3A_0] : memref<200x64x4096xf32, #tpu.memory_space<hbm>> -> memref<1x1x256xf32, #tpu.memory_space<hbm>>
        %dma_start3A_108 = tpu.memref_squeeze %dma_start3A_107 : memref<1x1x256xf32, #tpu.memory_space<hbm>> -> memref<256xf32, #tpu.memory_space<hbm>>
        %dma_start3A_109 = tpu.memref_slice %arg6[%mul3A_101] : memref<6400xf32, #tpu.memory_space<vmem>> -> memref<256xf32, #tpu.memory_space<vmem>>
        tpu.enqueue_dma source(%dma_start3A_109 : memref<256xf32, #tpu.memory_space<vmem>>) target(%dma_start3A_108 : memref<256xf32, #tpu.memory_space<hbm>>) target_semaphore(%arg12 : memref<!tpu.dma_semaphore, #tpu.memory_space<semaphore_mem>>)
      }
      %scan3A_58 = arith.constant 25 : i32
      %dma_wait3A_59 = arith.constant 44800 : i32
      %dma_wait3A_60 = tpu.memref_slice %arg5[%dma_wait3A_59] : memref<51200xi32, #tpu.memory_space<vmem>> -> memref<6400xi32, #tpu.memory_space<vmem>>
      %dma_wait3A_61 = arith.constant 0 : i32
      %dma_wait3A_62 = tpu.memref_slice %arg8[%dma_wait3A_61] : memref<1000000xf32, #tpu.memory_space<vmem_shared>> -> memref<1000000xf32, #tpu.memory_space<vmem_shared>>
      tpu.wait_indirect_dma semaphore(%arg11 : memref<!tpu.dma_semaphore, #tpu.memory_space<semaphore_mem>>) src(%dma_wait3A_62 : memref<1000000xf32, #tpu.memory_space<vmem_shared>>) dst(%arg7 : memref<6400xf32, #tpu.memory_space<vmem>>)
      %barrier3A_63 = arith.constant 0 : index
      tpu.barrier barrier_id(%barrier3A_63)
      %add3A_64 = arith.constant 1 : i32
      %add3A_65 = arith.addi %scan3A_25, %add3A_64 : i32
      %lt3A = arith.constant 32 : i32
      %lt3A_66 = arith.cmpi slt, %add3A_65, %lt3A : i32
      %convert_element_type3A_67 = arith.extui %lt3A_66 : i1 to i32
      %cond3A_68 = arith.constant 0 : i32
      %cond3A_69 = arith.cmpi ne, %convert_element_type3A_67, %cond3A_68 : i32
      scf.if %cond3A_69 {
        %add3A_99 = arith.constant 1 : i32
        %add3A_100 = arith.addi %scan3A_25, %add3A_99 : i32
        %eq3A_101 = arith.constant 0 : i32
        %eq3A_102 = arith.cmpi eq, %arg1, %eq3A_101 : i32
        %convert_element_type3A_103 = arith.extui %eq3A_102 : i1 to i32
        %cond3A_104 = arith.constant 0 : i32
        %cond3A_105 = arith.cmpi ne, %convert_element_type3A_103, %cond3A_104 : i32
        scf.if %cond3A_105 {
          %mul3A_106 = arith.constant 32 : i32
          %mul3A_107 = arith.muli %arg0, %mul3A_106 : i32
          %add3A_108 = arith.addi %mul3A_107, %add3A_100 : i32
          %dma_start3A_109 = arith.constant 0 : i32
          %dma_start3A_110 = tpu.memref_slice %arg3[%add3A_108, %dma_start3A_109] : memref<64x1000000xf32, #tpu.memory_space<hbm>> -> memref<1x1000000xf32, #tpu.memory_space<hbm>>
          %dma_start3A_111 = tpu.memref_squeeze %dma_start3A_110 : memref<1x1000000xf32, #tpu.memory_space<hbm>> -> memref<1000000xf32, #tpu.memory_space<hbm>>
          tpu.enqueue_dma source(%dma_start3A_111 : memref<1000000xf32, #tpu.memory_space<hbm>>) target(%arg8 : memref<1000000xf32, #tpu.memory_space<vmem_shared>>) target_semaphore(%arg9 : memref<!tpu.dma_semaphore, #tpu.memory_space<semaphore_mem>>)
        } else {
        }
      } else {
      }
      %scan3A_70 = arith.constant 0 : i32
      %scan3A_71 = arith.constant 0 : i32
      %scan3A_72 = arith.constant 25 : i32
      %scan3A_73 = arith.addi %scan3A_71, %scan3A_72 : i32
      %scan3A_74 = arith.constant 1 : i32
      scf.for %scan3A_99 = %scan3A_71 to %scan3A_73 step %scan3A_74  : i32 {
        %mul3A_100 = arith.constant 256 : i32
        %mul3A_101 = arith.muli %scan3A_99, %mul3A_100 : i32
        %add3A_102 = arith.constant 150 : i32
        %add3A_103 = arith.addi %add3A_102, %scan3A_99 : i32
        %dma_wait3A_104 = tpu.memref_slice %arg6[%mul3A_101] : memref<6400xf32, #tpu.memory_space<vmem>> -> memref<256xf32, #tpu.memory_space<vmem>>
        %dma_wait3A_105 = tpu.memref_slice %arg4[%add3A_103, %add3A, %mul3A_0] : memref<200x64x4096xf32, #tpu.memory_space<hbm>> -> memref<1x1x256xf32, #tpu.memory_space<hbm>>
        %dma_wait3A_106 = tpu.memref_squeeze %dma_wait3A_105 : memref<1x1x256xf32, #tpu.memory_space<hbm>> -> memref<256xf32, #tpu.memory_space<hbm>>
        %dma_wait3A_107 = tpu.memref_slice %arg4[%add3A_103, %add3A, %mul3A_0] : memref<200x64x4096xf32, #tpu.memory_space<hbm>> -> memref<1x1x256xf32, #tpu.memory_space<hbm>>
        %dma_wait3A_108 = tpu.memref_squeeze %dma_wait3A_107 : memref<1x1x256xf32, #tpu.memory_space<hbm>> -> memref<256xf32, #tpu.memory_space<hbm>>
        %dma_wait3A_109 = tpu.memref_slice %arg6[%mul3A_101] : memref<6400xf32, #tpu.memory_space<vmem>> -> memref<256xf32, #tpu.memory_space<vmem>>
        tpu.wait_dma2 semaphore(%arg12 : memref<!tpu.dma_semaphore, #tpu.memory_space<semaphore_mem>>) src(%dma_wait3A_109 : memref<256xf32, #tpu.memory_space<vmem>>) dst(%dma_wait3A_108 : memref<256xf32, #tpu.memory_space<hbm>>)
      }
      %scan3A_75 = arith.constant 25 : i32
      %parallel_loop3A_76 = arith.constant 0 : i32
      %parallel_loop3A_77 = arith.constant 400 : i32
      %parallel_loop3A_78 = arith.constant 1 : i32
      scf.for %parallel_loop3A_99 = %parallel_loop3A_76 to %parallel_loop3A_77 step %parallel_loop3A_78  : i32 {
        %parallel_loop3A_100 = arith.constant 16 : i32
        %parallel_loop3A_101 = arith.muli %parallel_loop3A_99, %parallel_loop3A_100 : i32
        %parallel_loop3A_102 = arith.index_cast %parallel_loop3A_101 : i32 to index
        %parallel_loop3A_103 = tpu.vector_load %arg7[%parallel_loop3A_102] {strides = array<i32>} : memref<6400xf32, #tpu.memory_space<vmem>>, vector<16xf32>,
        %parallel_loop3A_104 = vector.shape_cast %parallel_loop3A_103 : vector<16xf32> to vector<16xf32>
        %parallel_loop3A_105 = arith.constant 8.000000e+00 : f32
        %parallel_loop3A_106 = vector.broadcast %parallel_loop3A_105 : f32 to vector<16xf32>
        %parallel_loop3A_107 = arith.mulf %parallel_loop3A_104, %parallel_loop3A_106 : vector<16xf32>
        %parallel_loop3A_108 = arith.index_cast %parallel_loop3A_101 : i32 to index
        %parallel_loop3A_109 = tpu.vector_load %arg7[%parallel_loop3A_108] {strides = array<i32>} : memref<6400xf32, #tpu.memory_space<vmem>>, vector<16xf32>,
        %parallel_loop3A_110 = vector.shape_cast %parallel_loop3A_109 : vector<16xf32> to vector<16xf32>
        %parallel_loop3A_111 = vector.shape_cast %parallel_loop3A_107 : vector<16xf32> to vector<16xf32>
        tpu.vector_store %arg7[%parallel_loop3A_108], %parallel_loop3A_111 {strides = array<i32>} : memref<6400xf32, #tpu.memory_space<vmem>>, vector<16xf32>,
      } {sc.loop_unroll_factor = 4 : i64, sc.parallel_access}
      %scan3A_79 = arith.constant 0 : i32
      %scan3A_80 = arith.constant 0 : i32
      %scan3A_81 = arith.constant 25 : i32
      %scan3A_82 = arith.addi %scan3A_80, %scan3A_81 : i32
      %scan3A_83 = arith.constant 1 : i32
      scf.for %scan3A_99 = %scan3A_80 to %scan3A_82 step %scan3A_83  : i32 {
        %mul3A_100 = arith.constant 256 : i32
        %mul3A_101 = arith.muli %scan3A_99, %mul3A_100 : i32
        %add3A_102 = arith.constant 175 : i32
        %add3A_103 = arith.addi %add3A_102, %scan3A_99 : i32
        %dma_start3A_104 = tpu.memref_slice %arg7[%mul3A_101] : memref<6400xf32, #tpu.memory_space<vmem>> -> memref<256xf32, #tpu.memory_space<vmem>>
        %dma_start3A_105 = tpu.memref_slice %arg4[%add3A_103, %add3A, %mul3A_0] : memref<200x64x4096xf32, #tpu.memory_space<hbm>> -> memref<1x1x256xf32, #tpu.memory_space<hbm>>
        %dma_start3A_106 = tpu.memref_squeeze %dma_start3A_105 : memref<1x1x256xf32, #tpu.memory_space<hbm>> -> memref<256xf32, #tpu.memory_space<hbm>>
        %dma_start3A_107 = tpu.memref_slice %arg4[%add3A_103, %add3A, %mul3A_0] : memref<200x64x4096xf32, #tpu.memory_space<hbm>> -> memref<1x1x256xf32, #tpu.memory_space<hbm>>
        %dma_start3A_108 = tpu.memref_squeeze %dma_start3A_107 : memref<1x1x256xf32, #tpu.memory_space<hbm>> -> memref<256xf32, #tpu.memory_space<hbm>>
        %dma_start3A_109 = tpu.memref_slice %arg7[%mul3A_101] : memref<6400xf32, #tpu.memory_space<vmem>> -> memref<256xf32, #tpu.memory_space<vmem>>
        tpu.enqueue_dma source(%dma_start3A_109 : memref<256xf32, #tpu.memory_space<vmem>>) target(%dma_start3A_108 : memref<256xf32, #tpu.memory_space<hbm>>) target_semaphore(%arg12 : memref<!tpu.dma_semaphore, #tpu.memory_space<semaphore_mem>>)
      }
      %scan3A_84 = arith.constant 25 : i32
      %scan3A_85 = arith.constant 0 : i32
      %scan3A_86 = arith.constant 0 : i32
      %scan3A_87 = arith.constant 25 : i32
      %scan3A_88 = arith.addi %scan3A_86, %scan3A_87 : i32
      %scan3A_89 = arith.constant 1 : i32
      scf.for %scan3A_99 = %scan3A_86 to %scan3A_88 step %scan3A_89  : i32 {
        %mul3A_100 = arith.constant 256 : i32
        %mul3A_101 = arith.muli %scan3A_99, %mul3A_100 : i32
        %add3A_102 = arith.constant 175 : i32
        %add3A_103 = arith.addi %add3A_102, %scan3A_99 : i32
        %dma_wait3A_104 = tpu.memref_slice %arg7[%mul3A_101] : memref<6400xf32, #tpu.memory_space<vmem>> -> memref<256xf32, #tpu.memory_space<vmem>>
        %dma_wait3A_105 = tpu.memref_slice %arg4[%add3A_103, %add3A, %mul3A_0] : memref<200x64x4096xf32, #tpu.memory_space<hbm>> -> memref<1x1x256xf32, #tpu.memory_space<hbm>>
        %dma_wait3A_106 = tpu.memref_squeeze %dma_wait3A_105 : memref<1x1x256xf32, #tpu.memory_space<hbm>> -> memref<256xf32, #tpu.memory_space<hbm>>
        %dma_wait3A_107 = tpu.memref_slice %arg4[%add3A_103, %add3A, %mul3A_0] : memref<200x64x4096xf32, #tpu.memory_space<hbm>> -> memref<1x1x256xf32, #tpu.memory_space<hbm>>
        %dma_wait3A_108 = tpu.memref_squeeze %dma_wait3A_107 : memref<1x1x256xf32, #tpu.memory_space<hbm>> -> memref<256xf32, #tpu.memory_space<hbm>>
        %dma_wait3A_109 = tpu.memref_slice %arg7[%mul3A_101] : memref<6400xf32, #tpu.memory_space<vmem>> -> memref<256xf32, #tpu.memory_space<vmem>>
        tpu.wait_dma2 semaphore(%arg12 : memref<!tpu.dma_semaphore, #tpu.memory_space<semaphore_mem>>) src(%dma_wait3A_109 : memref<256xf32, #tpu.memory_space<vmem>>) dst(%dma_wait3A_108 : memref<256xf32, #tpu.memory_space<hbm>>)
      }
      %scan3A_90 = arith.constant 25 : i32
      %add3A_91 = arith.constant 1 : i32
      %add3A_92 = arith.addi %scan3A_25, %add3A_91 : i32
      %lt3A_93 = arith.constant 32 : i32
      %lt3A_94 = arith.cmpi slt, %add3A_92, %lt3A_93 : i32
      %convert_element_type3A_95 = arith.extui %lt3A_94 : i1 to i32
      %cond3A_96 = arith.constant 0 : i32
      %cond3A_97 = arith.cmpi ne, %convert_element_type3A_95, %cond3A_96 : i32
      scf.if %cond3A_97 {
        %add3A_99 = arith.constant 1 : i32
        %add3A_100 = arith.addi %scan3A_25, %add3A_99 : i32
        %eq3A_101 = arith.constant 0 : i32
        %eq3A_102 = arith.cmpi eq, %arg1, %eq3A_101 : i32
        %convert_element_type3A_103 = arith.extui %eq3A_102 : i1 to i32
        %cond3A_104 = arith.constant 0 : i32
        %cond3A_105 = arith.cmpi ne, %convert_element_type3A_103, %cond3A_104 : i32
        scf.if %cond3A_105 {
          %mul3A_106 = arith.constant 32 : i32
          %mul3A_107 = arith.muli %arg0, %mul3A_106 : i32
          %add3A_108 = arith.addi %mul3A_107, %add3A_100 : i32
          %dma_wait3A_109 = arith.constant 0 : i32
          %dma_wait3A_110 = tpu.memref_slice %arg3[%add3A_108, %dma_wait3A_109] : memref<64x1000000xf32, #tpu.memory_space<hbm>> -> memref<1x1000000xf32, #tpu.memory_space<hbm>>
          %dma_wait3A_111 = tpu.memref_squeeze %dma_wait3A_110 : memref<1x1000000xf32, #tpu.memory_space<hbm>> -> memref<1000000xf32, #tpu.memory_space<hbm>>
          tpu.wait_dma2 semaphore(%arg9 : memref<!tpu.dma_semaphore, #tpu.memory_space<semaphore_mem>>) src(%dma_wait3A_111 : memref<1000000xf32, #tpu.memory_space<hbm>>) dst(%arg8 : memref<1000000xf32, #tpu.memory_space<vmem_shared>>)
        } else {
        }
      } else {
      }
      %barrier3A_98 = arith.constant 0 : index
      tpu.barrier barrier_id(%barrier3A_98)
    }
    %scan3A_24 = arith.constant 32 : i32
    return
  }
}

</mosaic_0001>

<sc_bundles>
// kernel: kernel.3.cloned.1.call-start
scs
__scs_entry_jumppad:
0x0: {  	(pc) =	sbr.rel $0x88, $3  }
0x1: {  	(tag) =	ssettag $0x0;
	lr =	simm.s32 $0x1  }
0x2: {  	[smem:$0x3F9F] =	sst lr;
	_ =	strace $0xD0000000  }
0x3: {  	_ = 	snop  }
0x4: {  	_ = 	snop  }
0x5: {  	_ = 	snop  }
0x6: {  	_ = 	snop  }
0x7: {  	_ = 	snop  }
__scs_overlays_trampoline_lowered:
0x8: {  	[smem:$0x3FAE] =	sst s0  }
0x9: {  	[smem:$0x3FAF] =	sst s1  }
0xa: {  	[smem:$0x3FB0] =	sst s2  }
0xb: {  	[smem:$0x3FB1] =	sst s3  }
0xc: {  	[smem:$0x3FB2] =	sst s4  }
0xd: {  	[smem:$0x3FB3] =	sst s5  }
0xe: {  	[smem:$0x3FB4] =	sst s6  }
0xf: {  	[smem:$0x3FB5] =	sst s7  }
0x10: {  	[smem:$0x3FB6] =	sst s8  }
0x11: {  	[smem:$0x3FB7] =	sst s9;
	s0 =	simm.s32 @!p0 $0x0  }
0x12: {  	s1 =	sld [smem:$0x3F9D];
	s0 =	simm.s32 @p0 $0x1  }
0x13: {  	[smem:$0x3FB8] =	sst s0;
	s0 =	simm.s32 @!p1 $0x0  }
0x14: {  	s2 =	sld [smem:$0x3F9C];
	s0 =	simm.s32 @p1 $0x1  }
0x15: {  	[smem:$0x3FB9] =	sst s0;
	s0 =	simm.s32 @!p2 $0x0  }
0x16: {  	s3 =	sld [smem:$0x3FDB];
	s0 =	simm.s32 @p2 $0x1  }
0x17: {  	s4 =	simm.s32 $0x1BF5;
	[smem:$0x3FBB] =	sst s0  }
0x18: {  	s0 =	sld [smem:$0x3F9E];
	_ =	swait.ge [sflag:s4], $0x0  }
0x19: {  	s7 =	sld [smem:$0x3F9F]  }
0x1a: {  	s8 =	sadd.s32 $0xFFFFE003, lr  }
0x1b: {  	s9 =	sadd.s32 $0xFFFFFEF7, lr;
	s5 =	simm.s32 $0xFFFFFFFF;
	p2 =	slt.u32 s8, $0xFFFFF086  }
0x1c: {  	p1 =	slt.u32 s9, $0xF7A;
	s5 =	simm.s32 @!p2 $0x0  }
0x1d: {  	s5 =	simm.s32 @p1 $0x1;
	p0 =	seq.s32 s7, s2  }
0x1e: {  	s7 =	smul.u32 @!p0 $0xF7A, s2;
	p2 =	seq.s32 @!p0 s5, $0x0  }
0x1f: {  	s9 =	smul.u32 $0xF7A, s1;
	s8 =	simm.s32 @!p0 $0x1BF5;
	p2 =	por !p2, p0  }
0x20: {  	[sflag:s8] =	ssyncset.s32 @!p0 $0xFFFFF086;
	s6 =	sadd.s32 @!p0 s3, s7;
	s7 =	simm.s32 @!p0 $0x108  }
0x21: {  	s3 =	sadd.s32 s3, s9;
	s6 =	sadd.s32 @!p0 $0x88, s6;
	s7 =	simm.s32 @p2 $0x1082  }
0x22: {  	[simem:s7], [sflag:s8] =	dma.local @!p0 [hbm:s6], $0xF7A  }
0x23: {  	s9 =	sor.u32 $0xD0000000, s2;
	s6 =	simm.s32 $0x108;
	_ =	swait.ge @!p0 [sflag:s8], $0x0  }
0x24: {  	s3 =	sadd.s32 $0x88, s3;
	s6 =	simm.s32 @!p1 $0x1082;
	[sflag:s4] =	ssyncset.s32 $0xFFFFF086  }
0x25: {  	[simem:s6], [sflag:s4] =	dma.local [hbm:s3], $0xF7A  }
0x26: {  	[smem:$0x3F9F] =	sst s1;
	(tag) =	ssettag s2;
	_ =	strace s9  }
0x27: {  	s1 =	sld [smem:$0x3FAF]  }
0x28: {  	s2 =	sld [smem:$0x3FB0]  }
0x29: {  	s4 =	sld [smem:$0x3FB2]  }
0x2a: {  	p0 =	seq.s32 s5, $0x0;
	s5 =	sld [smem:$0x3FB3]  }
0x2b: {  	s6 =	sld [smem:$0x3FB4]  }
0x2c: {  	s7 =	sld [smem:$0x3FB5]  }
0x2d: {  	s3 =	simm.s32 $0x108;
	s8 =	sld [smem:$0x3FB6]  }
0x2e: {  	s3 =	simm.s32 @!p0 $0x1082;
	s9 =	sld [smem:$0x3FB7]  }
0x2f: {  	lr =	sadd.s32 s0, s3;
	s0 =	sld [smem:$0x3FAE]  }
0x30: {  	s3 =	sld [smem:$0x3FB1]  }
0x31: {  	[smem:$0x3FBA] =	sst s10  }
0x32: {  	s10 =	sld [smem:$0x3FB8];
	_ =	sdelay $0x3  }
0x33: {  	p0 =	seq.s32 s10, $0x1;
	s10 =	sld [smem:$0x3FBA];
	_ =	sdelay $0x3  }
0x34: {  	[smem:$0x3FBA] =	sst s10  }
0x35: {  	s10 =	sld [smem:$0x3FB9];
	_ =	sdelay $0x3  }
0x36: {  	p1 =	seq.s32 s10, $0x1;
	s10 =	sld [smem:$0x3FBA];
	_ =	sdelay $0x3  }
0x37: {  	[smem:$0x3FBA] =	sst s10  }
0x38: {  	s10 =	sld [smem:$0x3FBB]  }
0x39: {  	_ = 	snop;
	(pc) =	sbr.ind lr, $3  }
0x3a: {  	_ = 	snop  }
0x3b: {  	_ = 	snop  }
0x3c: {  	p2 =	seq.s32 s10, $0x1;
	s10 =	sld [smem:$0x3FBA]  }
0x3d: {  	_ =	shalt  }
0x3e: {  	_ =	shalt  }
0x3f: {  	_ =	shalt  }
0x40: {  	_ =	shalt  }
0x41: {  	_ =	shalt  }
0x42: {  	_ =	shalt  }
0x43: {  	_ =	shalt  }
0x44: {  	_ =	shalt  }
0x45: {  	_ =	shalt  }
0x46: {  	_ =	shalt  }
0x47: {  	_ =	shalt  }
0x48: {  	_ =	shalt  }
0x49: {  	_ =	shalt  }
0x4a: {  	_ =	shalt  }
0x4b: {  	_ =	shalt  }
0x4c: {  	_ =	shalt  }
0x4d: {  	_ =	shalt  }
0x4e: {  	_ =	shalt  }
0x4f: {  	_ =	shalt  }
0x50: {  	_ =	shalt  }
0x51: {  	_ =	shalt  }
0x52: {  	_ =	shalt  }
0x53: {  	_ =	shalt  }
0x54: {  	_ =	shalt  }
0x55: {  	_ =	shalt  }
0x56: {  	_ =	shalt  }
0x57: {  	_ =	shalt  }
0x58: {  	_ =	shalt  }
0x59: {  	_ =	shalt  }
0x5a: {  	_ =	shalt  }
0x5b: {  	_ =	shalt  }
0x5c: {  	_ =	shalt  }
0x5d: {  	_ =	shalt  }
0x5e: {  	_ =	shalt  }
0x5f: {  	_ =	shalt  }
0x60: {  	_ =	shalt  }
0x61: {  	_ =	shalt  }
0x62: {  	_ =	shalt  }
0x63: {  	_ =	shalt  }
0x64: {  	_ =	shalt  }
0x65: {  	_ =	shalt  }
0x66: {  	_ =	shalt  }
0x67: {  	_ =	shalt  }
0x68: {  	_ =	shalt  }
0x69: {  	_ =	shalt  }
0x6a: {  	_ =	shalt  }
0x6b: {  	_ =	shalt  }
0x6c: {  	_ =	shalt  }
0x6d: {  	_ =	shalt  }
0x6e: {  	_ =	shalt  }
0x6f: {  	_ =	shalt  }
0x70: {  	_ =	shalt  }
0x71: {  	_ =	shalt  }
0x72: {  	_ =	shalt  }
0x73: {  	_ =	shalt  }
0x74: {  	_ =	shalt  }
0x75: {  	_ =	shalt  }
0x76: {  	_ =	shalt  }
0x77: {  	_ =	shalt  }
0x78: {  	_ =	shalt  }
0x79: {  	_ =	shalt  }
0x7a: {  	_ =	shalt  }
0x7b: {  	_ =	shalt  }
0x7c: {  	_ =	shalt  }
0x7d: {  	_ =	shalt  }
0x7e: {  	_ =	shalt  }
0x7f: {  	_ =	shalt  }
0x80: {  	_ =	shalt  }
0x81: {  	_ =	shalt  }
0x82: {  	_ =	shalt  }
0x83: {  	_ =	shalt  }
0x84: {  	_ =	shalt  }
0x85: {  	_ =	shalt  }
0x86: {  	_ =	shalt  }
0x87: {  	_ =	shalt  }
.Lfunc_end0:
.L_simem_size_0:
called_computation_lowered:
.L_overlay_start_0:
0x88: {  	s2 =	sld [smem:$0x3FD9]  }
0x89: {  	s3 =	sld [smem:$0x3FFE];
	_ =	sdelay $0x1  }
0x8a: {  	s1 =	srdreg.scid  }
0x8b: {  	s0 =	sand.u32 $0x1, s1  }
0x8c: {  	s18 =	sshll.u32 s0, $0xA;
	s2 =	sadd.s32 s3, s2  }
0x8d: {  	s2 =	sadd.s32 s2, s18  }
0x8e: {  	[smem:$0x3FC6] =	sst s2  }
0x8f: {  	_ = 	snop  }
0x90: {  	s2 =	sld [smem:$0x3FC9]  }
0x91: {  	s19 =	sld [smem:$0x3FC8]  }
0x92: {  	s4 =	sld [smem:$0x3FD0];
	(tm) =	ssettm $0x1  }
0x93: {  	s5 =	sld [smem:$0x3FFB];
	_ =	sdelay $0x3  }
0x94: {  	_ =	strace s5  }
0x95: {  	s5 =	sld [smem:$0x3FFC];
	_ =	sdelay $0x3  }
0x96: {  	_ =	strace s5  }
0x97: {  	s5 =	sld [smem:$0x3FFD];
	_ =	sdelay $0x3  }
0x98: {  	_ =	strace s5  }
0x99: {  	_ =	strace $0x8FFFFFFF  }
0x9a: {  	s20 =	sld [smem:$0x3FDB];
	_ =	sdelay $0x1  }
0x9b: {  	s6 =	simm.s32 $_scs_section_size  }
0x9c: {  	s7 =	simm.s32 $_size__tile_overlayer_lowered;
	s8 =	simm.s32 $_tile_overlayer_lowered  }
0x9d: {  	s23 =	simm.s32 $0x1BFF;
	s22 =	sshll.u32 s8, $0x1;
	s5 =	sadd.s32 s6, s20  }
0x9e: {  	s9 =	simm.s32 $0x0;
	s21 =	sshll.u32 s7, $0x1;
	s7 =	sadd.s32 s22, s5  }
0x9f: {  	[timem:s9], [sflag:s23] =	dma.local [hbm:s7], s21  }
0xa0: {  	_ =	swait.ge [sflag:s23], s21  }
0xa1: {  	s6 =	ssub.s32 $0x0, s21;
	[sflag:s23] =	ssyncset.done $0x0  }
0xa2: {  	[sflag:s23] =	ssyncadd.s32 s6;
	_ =	sdelay $0x1  }
0xa3: {  	s24 =	simm.s32 $0x1B8B  }
0xa4: {  	_ =	swait.ge [sflag:s24], $0x1  }
0xa5: {  	[sflag:s24] =	ssyncset.done $0x0  }
0xa6: {  	s25 =	simm.s32 $0x1B8E;
	[sflag:s24] =	ssyncadd.s32 $0xFFFFFFFF  }
0xa7: {  	s26 =	simm.s32 $execute0_lowered;
	[smem:$0x3FD2] =	sst s25  }
0xa8: {  	s6 =	sshll.u32 s26, $0x1;
	_ =	strace $0x80000046;
	[dreg:$0x1] =	wrdreg $0xFFFFFFFF  }
0xa9: {  	s28 =	simm.s32 $_size_execute0_lowered;
	s5 =	sadd.s32 s5, s6;
	[dreg:$0x0] =	wrdreg $0x0  }
0xaa: {  	s6 =	sshll.u32 s28, $0x1;
	[dreg:$0x2] =	wrdreg s5  }
0xab: {  	[dreg:$0x3] =	wrdreg s6  }
0xac: {  	[dreg:$0x4] =	wrdreg $0xC0  }
0xad: {  	_ =	task [dreg:s9], $0x5FFFF  }
0xae: {  	[dreg:$0x1] =	wrdreg $0xFFFFFFFF  }
0xaf: {  	[dreg:$0x0] =	wrdreg $0x60  }
0xb0: {  	[dreg:$0x2] =	wrdreg s2  }
0xb1: {  	[dreg:$0x3] =	wrdreg s19  }
0xb2: {  	[dreg:$0x4] =	wrdreg s4  }
0xb3: {  	[dreg:$0x5] =	wrdreg $0xFA000  }
0xb4: {  	[dreg:$0x6] =	wrdreg $0x9  }
0xb5: {  	_ =	task.clear_ibuf [dreg:s9], $0x7FFFF;
	_ =	strace $0x90000046  }
0xb6: {  	s29 =	simm.s32 $0x9;
	_ =	strace $0x80000048  }
0xb7: {  	_ =	swait.ge [sflag:s29], $0x1  }
0xb8: {  	[sflag:s29] =	ssyncadd.s32 $0xFFFFFFFF  }
0xb9: {  	_ =	strace $0x90000048  }
0xba: {  	_ =	sfence  }
0xbb: {  	s30 =	sld [smem:$0x0];
	_ =	sdelay $0x2  }
0xbc: {  	s31 =	sshll.u32 s1, $0xD;
	s1 =	sshrl.u32 s1, $0x2  }
0xbd: {  	s3 =	sand.u32 $0x4000, s31;
	s1 =	sadd.s32 s1, s30  }
0xbe: {  	s0 =	sor.u32 s3, s0;
	s1 =	sshll.u32 s1, $0x11  }
0xbf: {  	s0 =	sor.u32 s1, s0  }
0xc0: {  	s0 =	sadd.s32 $0x8F2B, s0  }
0xc1: {  	[sflag:s0] =	ssyncadd.remote.s32 $0x1  }
0xc2: {  	_ =	sfence.sel $0xFFFF  }
0xc3: {  	[dreg:$0x0] =	wrdreg $0xFFFFFFFF;
	(pc) =	sbr.abs _section_cstart, $3  }
0xc4: {  	[dreg:$0x1] =	wrdreg $0xFFFFFFFF  }
0xc5: {  	_ =	task.clear_ibuf [dreg:s9], $0x2FFFF;
	_ =	strace $0x9FFFFFFF  }
0xc6: {  	(tm) =	ssettm $0x7FFFFFFF  }
0xc7: {  	_ =	shalt  }
tec
execute0_lowered:
.L_overlay_start_1:
0x0: {  	(tag) =	ssettag $0x1  }
0x1: {  	s0 =	rddreg [dreg:$0x0]  }
0x2: {  	s1 =	rddreg [dreg:$0x1]  }
0x3: {  	s5 =	rddreg [dreg:$0x2]  }
0x4: {  	s2 =	rddreg [dreg:$0x3];
	s4 =	srdreg.scid  }
0x5: {  	s3 =	simm.s32 $0x0;
	s9 =	stileid.u32;
	s13 =	simm.s32 $0x80  }
0x6: {  	s14 =	simm.s32 $0x400;
	s15 =	simm.s32 $0x2;
	s17 =	simm.s32 $0x1900  }
0x7: {  	s18 =	simm.s32 $0xC800;
	s19 =	simm.s32 $0x3;
	s20 =	simm.s32 $0xE100  }
0x8: {  	s21 =	simm.s32 $0x4;
	s22 =	simm.s32 $0xAF00;
	s23 =	simm.s32 $0x0  }
0x9: {  	s8 =	sand.u32 $0x1, s4;
	[smem:$0x7FF] =	sst s3;
	s7 =	sshll.u32 s9, $0x8  }
0xa: {  	p0 =	sne.s32 s9, $0x0;
	p1 =	seq.s32 s9, $0x0;
	s4 =	ssub.s32 $0x2, s8  }
0xb: {  	s10 =	smul.u32 $0x3D0A00, s8;
	s31 =	sshll.u32 s8, $0xE;
	s6 =	sshrl.u32 s4, $0x1  }
0xc: {  	_ =	strace $0x80000047;
	[dreg:$0x7] =	wrdreg s31;
	s11 =	ssub.s32 s4, s6  }
0xd: {  	s4 =	sadd.s32 s0, s7;
	s29 =	sadd.s32 s1, s10;
	s6 =	sshll.u32 s8, $0x5  }
0xe: {  	s7 =	sadd.s32 s7, s5;
	s0 =	sshrl.u32 @!p0 s2, $0x3;
	[dreg:$0x5] =	wrdreg s29  }
0xf: {  	s30 =	smax.u32 s11, $0x1;
	s10 =	sadd.s32 $0xC8000, s7;
	[dreg:$0x8] =	wrdreg s0  }
0x10: {  	s11 =	sadd.s32 $0x4B0000, s7;
	s12 =	sadd.s32 $0x578000, s7;
	[dreg:$0x6] =	wrdreg s30  }
.LBB2_1:
0x11: {  	s0 =	sand.u32 $0x1F000, s3  }
0x12: {  	s5 =	sand.u32 $0x70, s3;
	s0 =	sadd.s32 s0, s4  }
0x13: {  	s0 =	sadd.s32 s5, s0  }
0x14: {  	[tilespmem:s3], [sflag:$0x2] =	stream.strided.gather [hbm4b:s0+s13], $0x100, s14, s13, $0x38;
	[tilespmem:$0x1EE28] =	vst v63  }
0x15: {  	s8 =	simm.s32 $0x0;
	s5 =	simm.s32 $0x10;
	s0 =	simm.s32 $0x200  }
.LBB2_2:
0x16: {  	s9 =	sand.u32 $0x1F000, s0;
	p2 =	sne.s32 s0, $0x18E00;
	s0 =	sadd.s32 $0x200, s0  }
.Ltmp0:
0x17: {  	s16 =	sand.u32 $0x70, s5;
	s9 =	sadd.s32 s9, s4;
	(pc) =	sbr.rel @p2 .LBB2_2-.Ltmp0, $4  }
0x18: {  	s8 =	sadd.s32 $0x100, s8;
	s9 =	sadd.s32 s16, s9  }
0x19: {  	[tilespmem:s8], [sflag:$0x2] =	stream.strided.gather [hbm4b:s9+s13], $0x100, s14, s13, $0x38;
	[tilespmem:$0x1EE28] =	vst v63  }
0x1a: {  	_ = 	snop  }
0x1b: {  	s5 =	sadd.s32 $0x10, s5  }
0x1c: {  	_ =	swait.ge [sflag:s15], $0x100  }
0x1d: {  	s0 =	simm.s32 $0xC7;
	[sflag:s15] =	ssyncset.done $0x0  }
.LBB2_4:
0x1e: {  	p2 =	sne.s32 s0, $0x1;
	s0 =	sadd.s32 $0xFFFFFFFF, s0;
	[sflag:s15] =	ssyncadd.s32 $0xFFFFFF00  }
.Ltmp1:
0x1f: {  	(pc) =	sbr.rel @p2 .LBB2_4-.Ltmp1, $3  }
0x20: {  	_ =	sdelay $0x1  }
0x21: {  	_ =	swait.ge [sflag:s15], $0x100  }
0x22: {  	[sflag:s15] =	ssyncset.done $0x0  }
0x23: {  	[sflag:s15] =	ssyncadd.s32 $0xFFFFFF00  }
0x24: {  	s0 =	simm.s32 @!p0 $0x1;
	s5 =	simm.s32 @!p0 $0x10;
	s16 =	rddreg [dreg:$0x5]  }
0x25: {  	s8 =	simm.s32 @!p0 $0x80;
	s9 =	simm.s32 @!p0 $0x1C01;
	s24 =	rddreg [dreg:$0x8]  }
0x26: {  	[spmem:s24@s5], [sflag:s9] =	dma.strided @!p0 [hbm:s16@s8], $0x1E850, s0, $0x10   }
0x27: {  	_ =	swait.ge @!p0 [sflag:s0], $0x1E850  }
0x28: {  	[sflag:s0] =	ssyncset.done @!p0 $0x0  }
0x29: {  	[sflag:s0] =	ssyncadd.s32 @!p0 $0xFFFE17B0  }
0x2a: {  	s25 =	simm.s32 $0x0;
	[bflag:$0x0] =	sbarrier.arrive $0xFFFF  }
0x2b: {  	s29 =	simm.s32 $0x0;
	s24 =	simm.s32 $0x0;
	s26 =	rddreg [dreg:$0x7]  }
.LBB2_6:
0x2c: {  	s0 =	sand.u32 $0xFFFFF000, s26  }
0x2d: {  	s5 =	sshll.u32 s25, $0x4;
	[bflag:$0x0] =	sbarrier.arrive $0xFFFF;
	s8 =	sadd.s32 s0, s12  }
0x2e: {  	[tilespmem:s18], [sflag:$0x3] =	stream.indirect.gather [spmem:s2], $0x1, s24, s17, $0xb8;
	[tilespmem:$0x1EE28] =	vst v63  }
0x2f: {  	s5 =	sand.u32 $0x70, s5;
	s9 =	sadd.s32 s0, s11;
	s16 =	sadd.s32 s0, s10  }
0x30: {  	s0 =	sadd.s32 s0, s7;
	s28 =	sadd.s32 s5, s8;
	s30 =	sadd.s32 s5, s9  }
0x31: {  	s31 =	sadd.s32 s5, s16;
	s0 =	sadd.s32 s5, s0;
	s5 =	simm.s32 $0x0  }
.LBB2_7:
0x32: {  	p2 =	seq.s32 s5, $0x0  }
.Ltmp2:
0x33: {  	_ = 	snop;
	(pc) =	sbr.rel @p2 .LBB2_9-.Ltmp2, $4  }
0x34: {  	_ = 	snop  }
0x35: {  	_ =	swait.ge [sflag:s19], $0x1900  }
0x36: {  	[sflag:s19] =	ssyncset.done $0x0  }
0x37: {  	[sflag:s19] =	ssyncadd.s32 $0xFFFFE700  }
0x38: {  	_ =	swait.ge [sflag:s21], $0x100  }
0x39: {  	[sflag:s21] =	ssyncset.done $0x0  }
0x3a: {  	[sflag:s21] =	ssyncadd.s32 $0xFFFFFF00  }
0x3b: {  	_ =	swait.ge [sflag:s21], $0x100  }
0x3c: {  	[sflag:s21] =	ssyncset.done $0x0  }
0x3d: {  	[sflag:s21] =	ssyncadd.s32 $0xFFFFFF00  }
0x3e: {  	_ =	swait.ge [sflag:s21], $0x100  }
0x3f: {  	[sflag:s21] =	ssyncset.done $0x0  }
0x40: {  	[sflag:s21] =	ssyncadd.s32 $0xFFFFFF00  }
0x41: {  	_ =	swait.ge [sflag:s21], $0x100  }
0x42: {  	[sflag:s21] =	ssyncset.done $0x0  }
0x43: {  	[sflag:s21] =	ssyncadd.s32 $0xFFFFFF00  }
0x44: {  	_ =	swait.ge [sflag:s21], $0x100  }
0x45: {  	[sflag:s21] =	ssyncset.done $0x0  }
0x46: {  	[sflag:s21] =	ssyncadd.s32 $0xFFFFFF00  }
0x47: {  	_ =	swait.ge [sflag:s21], $0x100  }
0x48: {  	[sflag:s21] =	ssyncset.done $0x0  }
0x49: {  	[sflag:s21] =	ssyncadd.s32 $0xFFFFFF00  }
0x4a: {  	_ =	swait.ge [sflag:s21], $0x100  }
0x4b: {  	[sflag:s21] =	ssyncset.done $0x0  }
0x4c: {  	[sflag:s21] =	ssyncadd.s32 $0xFFFFFF00  }
0x4d: {  	_ =	swait.ge [sflag:s21], $0x100  }
0x4e: {  	[sflag:s21] =	ssyncset.done $0x0  }
0x4f: {  	[sflag:s21] =	ssyncadd.s32 $0xFFFFFF00  }
0x50: {  	_ =	swait.ge [sflag:s21], $0x100  }
0x51: {  	[sflag:s21] =	ssyncset.done $0x0  }
0x52: {  	[sflag:s21] =	ssyncadd.s32 $0xFFFFFF00  }
0x53: {  	_ =	swait.ge [sflag:s21], $0x100  }
0x54: {  	[sflag:s21] =	ssyncset.done $0x0  }
0x55: {  	[sflag:s21] =	ssyncadd.s32 $0xFFFFFF00  }
0x56: {  	_ =	swait.ge [sflag:s21], $0x100  }
0x57: {  	[sflag:s21] =	ssyncset.done $0x0  }
0x58: {  	[sflag:s21] =	ssyncadd.s32 $0xFFFFFF00  }
0x59: {  	_ =	swait.ge [sflag:s21], $0x100  }
0x5a: {  	[sflag:s21] =	ssyncset.done $0x0  }
0x5b: {  	[sflag:s21] =	ssyncadd.s32 $0xFFFFFF00  }
0x5c: {  	_ =	swait.ge [sflag:s21], $0x100  }
0x5d: {  	[sflag:s21] =	ssyncset.done $0x0  }
0x5e: {  	[sflag:s21] =	ssyncadd.s32 $0xFFFFFF00  }
0x5f: {  	_ =	swait.ge [sflag:s21], $0x100  }
0x60: {  	[sflag:s21] =	ssyncset.done $0x0  }
0x61: {  	[sflag:s21] =	ssyncadd.s32 $0xFFFFFF00  }
0x62: {  	_ =	swait.ge [sflag:s21], $0x100  }
0x63: {  	[sflag:s21] =	ssyncset.done $0x0  }
0x64: {  	[sflag:s21] =	ssyncadd.s32 $0xFFFFFF00  }
0x65: {  	_ =	swait.ge [sflag:s21], $0x100  }
0x66: {  	[sflag:s21] =	ssyncset.done $0x0  }
0x67: {  	[sflag:s21] =	ssyncadd.s32 $0xFFFFFF00  }
0x68: {  	_ =	swait.ge [sflag:s21], $0x100  }
0x69: {  	[sflag:s21] =	ssyncset.done $0x0  }
0x6a: {  	[sflag:s21] =	ssyncadd.s32 $0xFFFFFF00  }
0x6b: {  	_ =	swait.ge [sflag:s21], $0x100  }
0x6c: {  	[sflag:s21] =	ssyncset.done $0x0  }
0x6d: {  	[sflag:s21] =	ssyncadd.s32 $0xFFFFFF00  }
0x6e: {  	_ =	swait.ge [sflag:s21], $0x100  }
0x6f: {  	[sflag:s21] =	ssyncset.done $0x0  }
0x70: {  	[sflag:s21] =	ssyncadd.s32 $0xFFFFFF00  }
0x71: {  	_ =	swait.ge [sflag:s21], $0x100  }
0x72: {  	[sflag:s21] =	ssyncset.done $0x0  }
0x73: {  	[sflag:s21] =	ssyncadd.s32 $0xFFFFFF00  }
0x74: {  	_ =	swait.ge [sflag:s21], $0x100  }
0x75: {  	[sflag:s21] =	ssyncset.done $0x0  }
0x76: {  	[sflag:s21] =	ssyncadd.s32 $0xFFFFFF00  }
0x77: {  	_ =	swait.ge [sflag:s21], $0x100  }
0x78: {  	[sflag:s21] =	ssyncset.done $0x0  }
0x79: {  	[sflag:s21] =	ssyncadd.s32 $0xFFFFFF00  }
0x7a: {  	_ =	swait.ge [sflag:s21], $0x100  }
0x7b: {  	[sflag:s21] =	ssyncset.done $0x0  }
0x7c: {  	[sflag:s21] =	ssyncadd.s32 $0xFFFFFF00  }
0x7d: {  	_ =	swait.ge [sflag:s21], $0x100  }
0x7e: {  	[sflag:s21] =	ssyncset.done $0x0  }
0x7f: {  	[sflag:s21] =	ssyncadd.s32 $0xFFFFFF00  }
0x80: {  	_ =	swait.ge [sflag:s21], $0x100  }
0x81: {  	[sflag:s21] =	ssyncset.done $0x0  }
0x82: {  	[sflag:s21] =	ssyncadd.s32 $0xFFFFFF00  }
.LBB2_9:
0x83: {  	s8 =	sshllo.u32 s5, $0x1  }
0x84: {  	s8 =	smul.u32 $0x6400, s8;
	_ =	sdelay $0x1  }
0x85: {  	s16 =	simm.s32 $0xC820;
	s8 =	sshra.s32 s8, $0x2  }
0x86: {  	[tilespmem:s20], [sflag:$0x3] =	stream.indirect.gather [spmem:s2], $0x1, s8, s17, $0xb8;
	[tilespmem:$0x1EE28] =	vst v63  }
0x87: {  	v0 =	vld [tilespmem:s16+$0xFFFFFFE0]  }
0x88: {  	v2 =	vld [tilespmem:s16+$0x10]  }
0x89: {  	v3 =	vld [tilespmem:s16+$0x0];
	_ =	sdelay $0x1  }
0x8a: {  	v4 =	vld [tilespmem:s16+$0xFFFFFFF0]  }
0x8b: {  	s8 =	simm.s32 $0xC860;
	v5 =	vmul.f32 $8.000000000e+00, v0  }
0x8c: {  	v1 =	vld [tilespmem:s8+$0xFFFFFFE0];
	v6 =	vmul.f32 $8.000000000e+00, v2  }
0x8d: {  	v0 =	vld [tilespmem:s8+$0x10];
	[tilespmem:s16+$0xFFFFFFE0] =	vst v5;
	v5 =	vmul.f32 $8.000000000e+00, v3  }
0x8e: {  	v2 =	vld [tilespmem:s8+$0x0];
	[tilespmem:s16+$0x10] =	vst v6  }
0x8f: {  	s9 =	simm.s32 $0x4;
	v4 =	vmul.f32 $8.000000000e+00, v4;
	v3 =	vld [tilespmem:s8+$0xFFFFFFF0];
	[tilespmem:s16+$0x0] =	vst v5  }
.LBB2_10:
0x90: {  	s9 =	sadd.s32 $0x4, s9  }
0x91: {  	[tilespmem:s16+$0xFFFFFFF0] =	vst v4;
	s16 =	smov.u32 s8;
	p2 =	slt.u32 s9, $0x18C  }
.Ltmp3:
0x92: {  	s8 =	sadd.s32 $0x40, s8;
	v4 =	vmul.f32 $8.000000000e+00, v1;
	(pc) =	sbr.rel @p2 .LBB2_10-.Ltmp3, $4  }
0x93: {  	v1 =	vld [tilespmem:s8+$0xFFFFFFE0];
	v5 =	vmul.f32 $8.000000000e+00, v0  }
0x94: {  	v0 =	vld [tilespmem:s8+$0x10];
	[tilespmem:s16+$0xFFFFFFE0] =	vst v4;
	v6 =	vmul.f32 $8.000000000e+00, v2  }
0x95: {  	v2 =	vld [tilespmem:s8+$0x0];
	v4 =	vmul.f32 $8.000000000e+00, v3;
	[tilespmem:s16+$0x10] =	vst v5  }
0x96: {  	v3 =	vld [tilespmem:s8+$0xFFFFFFF0];
	[tilespmem:s16+$0x0] =	vst v6  }
0x97: {  	_ = 	snop  }
0x98: {  	v1 =	vmul.f32 $8.000000000e+00, v1  }
0x99: {  	[tilespmem:s16+$0xFFFFFFF0] =	vst v4;
	v0 =	vmul.f32 $8.000000000e+00, v0  }
0x9a: {  	[tilespmem:s8+$0xFFFFFFE0] =	vst v1;
	v62 =	vmul.f32 $8.000000000e+00, v2  }
0x9b: {  	v63 =	vmul.f32 $8.000000000e+00, v3;
	[tilespmem:s8+$0x10] =	vst v0  }
0x9c: {  	[tilespmem:s8+$0x0] =	vst v62  }
0x9d: {  	s16 =	simm.s32 $0xC800;
	s9 =	smov.u32 s0;
	[tilespmem:s8+$0xFFFFFFF0] =	vst v63;
	s8 =	simm.s32 $0x400  }
0x9e: {  	[hbm4b:s0+s13] =	stream.strided.scatter [tilespmem:s16], [sflag:$0x4], $0x100, s14, s13, $0x38;
	[tilespmem:$0x1EE28] =	vst v63  }
.LBB2_12:
0x9f: {  	p2 =	sne.s32 s8, $0x6000  }
.Ltmp4:
0xa0: {  	_ = 	snop;
	(pc) =	sbr.rel @p2 .LBB2_12-.Ltmp4, $4  }
0xa1: {  	_ = 	snop  }
0xa2: {  	s16 =	sshra.s32 s8, $0x2;
	s8 =	sadd.s32 $0x400, s8  }
0xa3: {  	s9 =	sadd.s32 $0x8000, s9;
	s16 =	sadd.s32 $0xC800, s16  }
0xa4: {  	[hbm4b:s9+s13] =	stream.strided.scatter [tilespmem:s16], [sflag:$0x4], $0x100, s14, s13, $0x38;
	[tilespmem:$0x1EE28] =	vst v63  }
0xa5: {  	_ =	swait.ge [sflag:s19], $0x1900  }
0xa6: {  	[sflag:s19] =	ssyncset.done $0x0  }
0xa7: {  	[sflag:s19] =	ssyncadd.s32 $0xFFFFE700  }
0xa8: {  	_ =	swait.ge [sflag:s21], $0x100  }
0xa9: {  	[sflag:s21] =	ssyncset.done $0x0  }
0xaa: {  	[sflag:s21] =	ssyncadd.s32 $0xFFFFFF00  }
0xab: {  	_ =	swait.ge [sflag:s21], $0x100  }
0xac: {  	[sflag:s21] =	ssyncset.done $0x0  }
0xad: {  	[sflag:s21] =	ssyncadd.s32 $0xFFFFFF00  }
0xae: {  	_ =	swait.ge [sflag:s21], $0x100  }
0xaf: {  	[sflag:s21] =	ssyncset.done $0x0  }
0xb0: {  	[sflag:s21] =	ssyncadd.s32 $0xFFFFFF00  }
0xb1: {  	_ =	swait.ge [sflag:s21], $0x100  }
0xb2: {  	[sflag:s21] =	ssyncset.done $0x0  }
0xb3: {  	[sflag:s21] =	ssyncadd.s32 $0xFFFFFF00  }
0xb4: {  	_ =	swait.ge [sflag:s21], $0x100  }
0xb5: {  	[sflag:s21] =	ssyncset.done $0x0  }
0xb6: {  	[sflag:s21] =	ssyncadd.s32 $0xFFFFFF00  }
0xb7: {  	_ =	swait.ge [sflag:s21], $0x100  }
0xb8: {  	[sflag:s21] =	ssyncset.done $0x0  }
0xb9: {  	[sflag:s21] =	ssyncadd.s32 $0xFFFFFF00  }
0xba: {  	_ =	swait.ge [sflag:s21], $0x100  }
0xbb: {  	[sflag:s21] =	ssyncset.done $0x0  }
0xbc: {  	[sflag:s21] =	ssyncadd.s32 $0xFFFFFF00  }
0xbd: {  	_ =	swait.ge [sflag:s21], $0x100  }
0xbe: {  	[sflag:s21] =	ssyncset.done $0x0  }
0xbf: {  	[sflag:s21] =	ssyncadd.s32 $0xFFFFFF00  }
0xc0: {  	_ =	swait.ge [sflag:s21], $0x100  }
0xc1: {  	[sflag:s21] =	ssyncset.done $0x0  }
0xc2: {  	[sflag:s21] =	ssyncadd.s32 $0xFFFFFF00  }
0xc3: {  	_ =	swait.ge [sflag:s21], $0x100  }
0xc4: {  	[sflag:s21] =	ssyncset.done $0x0  }
0xc5: {  	[sflag:s21] =	ssyncadd.s32 $0xFFFFFF00  }
0xc6: {  	_ =	swait.ge [sflag:s21], $0x100  }
0xc7: {  	[sflag:s21] =	ssyncset.done $0x0  }
0xc8: {  	[sflag:s21] =	ssyncadd.s32 $0xFFFFFF00  }
0xc9: {  	_ =	swait.ge [sflag:s21], $0x100  }
0xca: {  	[sflag:s21] =	ssyncset.done $0x0  }
0xcb: {  	[sflag:s21] =	ssyncadd.s32 $0xFFFFFF00  }
0xcc: {  	_ =	swait.ge [sflag:s21], $0x100  }
0xcd: {  	[sflag:s21] =	ssyncset.done $0x0  }
0xce: {  	[sflag:s21] =	ssyncadd.s32 $0xFFFFFF00  }
0xcf: {  	_ =	swait.ge [sflag:s21], $0x100  }
0xd0: {  	[sflag:s21] =	ssyncset.done $0x0  }
0xd1: {  	[sflag:s21] =	ssyncadd.s32 $0xFFFFFF00  }
0xd2: {  	_ =	swait.ge [sflag:s21], $0x100  }
0xd3: {  	[sflag:s21] =	ssyncset.done $0x0  }
0xd4: {  	[sflag:s21] =	ssyncadd.s32 $0xFFFFFF00  }
0xd5: {  	_ =	swait.ge [sflag:s21], $0x100  }
0xd6: {  	[sflag:s21] =	ssyncset.done $0x0  }
0xd7: {  	[sflag:s21] =	ssyncadd.s32 $0xFFFFFF00  }
0xd8: {  	_ =	swait.ge [sflag:s21], $0x100  }
0xd9: {  	[sflag:s21] =	ssyncset.done $0x0  }
0xda: {  	[sflag:s21] =	ssyncadd.s32 $0xFFFFFF00  }
0xdb: {  	_ =	swait.ge [sflag:s21], $0x100  }
0xdc: {  	[sflag:s21] =	ssyncset.done $0x0  }
0xdd: {  	[sflag:s21] =	ssyncadd.s32 $0xFFFFFF00  }
0xde: {  	_ =	swait.ge [sflag:s21], $0x100  }
0xdf: {  	[sflag:s21] =	ssyncset.done $0x0  }
0xe0: {  	[sflag:s21] =	ssyncadd.s32 $0xFFFFFF00  }
0xe1: {  	_ =	swait.ge [sflag:s21], $0x100  }
0xe2: {  	[sflag:s21] =	ssyncset.done $0x0  }
0xe3: {  	[sflag:s21] =	ssyncadd.s32 $0xFFFFFF00  }
0xe4: {  	_ =	swait.ge [sflag:s21], $0x100  }
0xe5: {  	[sflag:s21] =	ssyncset.done $0x0  }
0xe6: {  	[sflag:s21] =	ssyncadd.s32 $0xFFFFFF00  }
0xe7: {  	_ =	swait.ge [sflag:s21], $0x100  }
0xe8: {  	[sflag:s21] =	ssyncset.done $0x0  }
0xe9: {  	[sflag:s21] =	ssyncadd.s32 $0xFFFFFF00  }
0xea: {  	_ =	swait.ge [sflag:s21], $0x100  }
0xeb: {  	[sflag:s21] =	ssyncset.done $0x0  }
0xec: {  	[sflag:s21] =	ssyncadd.s32 $0xFFFFFF00  }
0xed: {  	_ =	swait.ge [sflag:s21], $0x100  }
0xee: {  	[sflag:s21] =	ssyncset.done $0x0  }
0xef: {  	s8 =	smul.u32 $0xC800, s5;
	[sflag:s21] =	ssyncadd.s32 $0xFFFFFF00  }
0xf0: {  	_ =	swait.ge [sflag:s21], $0x100  }
0xf1: {  	s8 =	sshra.s32 s8, $0x2;
	[sflag:s21] =	ssyncset.done $0x0  }
0xf2: {  	s16 =	simm.s32 $0xE120;
	s8 =	sadd.s32 $0x3200, s8;
	[sflag:s21] =	ssyncadd.s32 $0xFFFFFF00  }
0xf3: {  	[tilespmem:s18], [sflag:$0x3] =	stream.indirect.gather [spmem:s2], $0x1, s8, s17, $0xb8;
	[tilespmem:$0x1EE28] =	vst v63  }
0xf4: {  	v0 =	vld [tilespmem:s16+$0xFFFFFFE0]  }
0xf5: {  	v2 =	vld [tilespmem:s16+$0x10]  }
0xf6: {  	v3 =	vld [tilespmem:s16+$0x0];
	_ =	sdelay $0x1  }
0xf7: {  	v4 =	vld [tilespmem:s16+$0xFFFFFFF0]  }
0xf8: {  	s8 =	simm.s32 $0xE160;
	v5 =	vmul.f32 $8.000000000e+00, v0  }
0xf9: {  	v1 =	vld [tilespmem:s8+$0xFFFFFFE0];
	v6 =	vmul.f32 $8.000000000e+00, v2  }
0xfa: {  	v0 =	vld [tilespmem:s8+$0x10];
	[tilespmem:s16+$0xFFFFFFE0] =	vst v5;
	v5 =	vmul.f32 $8.000000000e+00, v3  }
0xfb: {  	v2 =	vld [tilespmem:s8+$0x0];
	[tilespmem:s16+$0x10] =	vst v6  }
0xfc: {  	s9 =	simm.s32 $0x4;
	v4 =	vmul.f32 $8.000000000e+00, v4;
	v3 =	vld [tilespmem:s8+$0xFFFFFFF0];
	[tilespmem:s16+$0x0] =	vst v5  }
.LBB2_14:
0xfd: {  	s9 =	sadd.s32 $0x4, s9  }
0xfe: {  	[tilespmem:s16+$0xFFFFFFF0] =	vst v4;
	s16 =	smov.u32 s8;
	p2 =	slt.u32 s9, $0x18C  }
.Ltmp5:
0xff: {  	s8 =	sadd.s32 $0x40, s8;
	v4 =	vmul.f32 $8.000000000e+00, v1;
	(pc) =	sbr.rel @p2 .LBB2_14-.Ltmp5, $4  }
0x100: {  	v1 =	vld [tilespmem:s8+$0xFFFFFFE0];
	v5 =	vmul.f32 $8.000000000e+00, v0  }
0x101: {  	v0 =	vld [tilespmem:s8+$0x10];
	[tilespmem:s16+$0xFFFFFFE0] =	vst v4;
	v6 =	vmul.f32 $8.000000000e+00, v2  }
0x102: {  	v2 =	vld [tilespmem:s8+$0x0];
	v4 =	vmul.f32 $8.000000000e+00, v3;
	[tilespmem:s16+$0x10] =	vst v5  }
0x103: {  	v3 =	vld [tilespmem:s8+$0xFFFFFFF0];
	[tilespmem:s16+$0x0] =	vst v6  }
0x104: {  	_ = 	snop  }
0x105: {  	v1 =	vmul.f32 $8.000000000e+00, v1  }
0x106: {  	[tilespmem:s16+$0xFFFFFFF0] =	vst v4;
	v0 =	vmul.f32 $8.000000000e+00, v0  }
0x107: {  	[tilespmem:s8+$0xFFFFFFE0] =	vst v1;
	v62 =	vmul.f32 $8.000000000e+00, v2  }
0x108: {  	v63 =	vmul.f32 $8.000000000e+00, v3;
	[tilespmem:s8+$0x10] =	vst v0  }
0x109: {  	[tilespmem:s8+$0x0] =	vst v62  }
0x10a: {  	s16 =	simm.s32 $0xE100;
	s9 =	smov.u32 s31;
	[tilespmem:s8+$0xFFFFFFF0] =	vst v63;
	s8 =	simm.s32 $0x400  }
0x10b: {  	[hbm4b:s31+s13] =	stream.strided.scatter [tilespmem:s16], [sflag:$0x4], $0x100, s14, s13, $0x38;
	[tilespmem:$0x1EE28] =	vst v63  }
.LBB2_16:
0x10c: {  	p2 =	sne.s32 s8, $0x6000  }
.Ltmp6:
0x10d: {  	_ = 	snop;
	(pc) =	sbr.rel @p2 .LBB2_16-.Ltmp6, $4  }
0x10e: {  	_ = 	snop  }
0x10f: {  	s16 =	sshra.s32 s8, $0x2;
	s8 =	sadd.s32 $0x400, s8  }
0x110: {  	s9 =	sadd.s32 $0x8000, s9;
	s16 =	sadd.s32 $0xE100, s16  }
0x111: {  	[hbm4b:s9+s13] =	stream.strided.scatter [tilespmem:s16], [sflag:$0x4], $0x100, s14, s13, $0x38;
	[tilespmem:$0x1EE28] =	vst v63  }
0x112: {  	s5 =	sadd.s32 $0x1, s5  }
0x113: {  	p2 =	sne.s32 s5, $0x3  }
.Ltmp7:
0x114: {  	_ = 	snop;
	(pc) =	sbr.rel @p2 .LBB2_7-.Ltmp7, $2  }
0x115: {  	_ =	sdelay $0x2  }
0x116: {  	s0 =	sadd.s32 $0x190000, s0;
	s31 =	sadd.s32 $0x190000, s31  }
0x117: {  	_ =	swait.ge [sflag:s19], $0x1900  }
0x118: {  	[sflag:s19] =	ssyncset.done $0x0  }
0x119: {  	[sflag:s19] =	ssyncadd.s32 $0xFFFFE700  }
0x11a: {  	_ =	swait.ge [sflag:s21], $0x100  }
0x11b: {  	[sflag:s21] =	ssyncset.done $0x0  }
0x11c: {  	[sflag:s21] =	ssyncadd.s32 $0xFFFFFF00  }
0x11d: {  	_ =	swait.ge [sflag:s21], $0x100  }
0x11e: {  	[sflag:s21] =	ssyncset.done $0x0  }
0x11f: {  	[sflag:s21] =	ssyncadd.s32 $0xFFFFFF00  }
0x120: {  	_ =	swait.ge [sflag:s21], $0x100  }
0x121: {  	[sflag:s21] =	ssyncset.done $0x0  }
0x122: {  	[sflag:s21] =	ssyncadd.s32 $0xFFFFFF00  }
0x123: {  	_ =	swait.ge [sflag:s21], $0x100  }
0x124: {  	[sflag:s21] =	ssyncset.done $0x0  }
0x125: {  	[sflag:s21] =	ssyncadd.s32 $0xFFFFFF00  }
0x126: {  	_ =	swait.ge [sflag:s21], $0x100  }
0x127: {  	[sflag:s21] =	ssyncset.done $0x0  }
0x128: {  	[sflag:s21] =	ssyncadd.s32 $0xFFFFFF00  }
0x129: {  	_ =	swait.ge [sflag:s21], $0x100  }
0x12a: {  	[sflag:s21] =	ssyncset.done $0x0  }
0x12b: {  	[sflag:s21] =	ssyncadd.s32 $0xFFFFFF00  }
0x12c: {  	_ =	swait.ge [sflag:s21], $0x100  }
0x12d: {  	[sflag:s21] =	ssyncset.done $0x0  }
0x12e: {  	[sflag:s21] =	ssyncadd.s32 $0xFFFFFF00  }
0x12f: {  	_ =	swait.ge [sflag:s21], $0x100  }
0x130: {  	[sflag:s21] =	ssyncset.done $0x0  }
0x131: {  	[sflag:s21] =	ssyncadd.s32 $0xFFFFFF00  }
0x132: {  	_ =	swait.ge [sflag:s21], $0x100  }
0x133: {  	[sflag:s21] =	ssyncset.done $0x0  }
0x134: {  	[sflag:s21] =	ssyncadd.s32 $0xFFFFFF00  }
0x135: {  	_ =	swait.ge [sflag:s21], $0x100  }
0x136: {  	[sflag:s21] =	ssyncset.done $0x0  }
0x137: {  	[sflag:s21] =	ssyncadd.s32 $0xFFFFFF00  }
0x138: {  	_ =	swait.ge [sflag:s21], $0x100  }
0x139: {  	[sflag:s21] =	ssyncset.done $0x0  }
0x13a: {  	[sflag:s21] =	ssyncadd.s32 $0xFFFFFF00  }
0x13b: {  	_ =	swait.ge [sflag:s21], $0x100  }
0x13c: {  	[sflag:s21] =	ssyncset.done $0x0  }
0x13d: {  	[sflag:s21] =	ssyncadd.s32 $0xFFFFFF00  }
0x13e: {  	_ =	swait.ge [sflag:s21], $0x100  }
0x13f: {  	[sflag:s21] =	ssyncset.done $0x0  }
0x140: {  	[sflag:s21] =	ssyncadd.s32 $0xFFFFFF00  }
0x141: {  	_ =	swait.ge [sflag:s21], $0x100  }
0x142: {  	[sflag:s21] =	ssyncset.done $0x0  }
0x143: {  	[sflag:s21] =	ssyncadd.s32 $0xFFFFFF00  }
0x144: {  	_ =	swait.ge [sflag:s21], $0x100  }
0x145: {  	[sflag:s21] =	ssyncset.done $0x0  }
0x146: {  	[sflag:s21] =	ssyncadd.s32 $0xFFFFFF00  }
0x147: {  	_ =	swait.ge [sflag:s21], $0x100  }
0x148: {  	[sflag:s21] =	ssyncset.done $0x0  }
0x149: {  	[sflag:s21] =	ssyncadd.s32 $0xFFFFFF00  }
0x14a: {  	_ =	swait.ge [sflag:s21], $0x100  }
0x14b: {  	[sflag:s21] =	ssyncset.done $0x0  }
0x14c: {  	[sflag:s21] =	ssyncadd.s32 $0xFFFFFF00  }
0x14d: {  	_ =	swait.ge [sflag:s21], $0x100  }
0x14e: {  	[sflag:s21] =	ssyncset.done $0x0  }
0x14f: {  	[sflag:s21] =	ssyncadd.s32 $0xFFFFFF00  }
0x150: {  	_ =	swait.ge [sflag:s21], $0x100  }
0x151: {  	[sflag:s21] =	ssyncset.done $0x0  }
0x152: {  	[sflag:s21] =	ssyncadd.s32 $0xFFFFFF00  }
0x153: {  	_ =	swait.ge [sflag:s21], $0x100  }
0x154: {  	[sflag:s21] =	ssyncset.done $0x0  }
0x155: {  	[sflag:s21] =	ssyncadd.s32 $0xFFFFFF00  }
0x156: {  	_ =	swait.ge [sflag:s21], $0x100  }
0x157: {  	[sflag:s21] =	ssyncset.done $0x0  }
0x158: {  	[sflag:s21] =	ssyncadd.s32 $0xFFFFFF00  }
0x159: {  	_ =	swait.ge [sflag:s21], $0x100  }
0x15a: {  	[sflag:s21] =	ssyncset.done $0x0  }
0x15b: {  	[sflag:s21] =	ssyncadd.s32 $0xFFFFFF00  }
0x15c: {  	_ =	swait.ge [sflag:s21], $0x100  }
0x15d: {  	[sflag:s21] =	ssyncset.done $0x0  }
0x15e: {  	[sflag:s21] =	ssyncadd.s32 $0xFFFFFF00  }
0x15f: {  	_ =	swait.ge [sflag:s21], $0x100  }
0x160: {  	[sflag:s21] =	ssyncset.done $0x0  }
0x161: {  	[sflag:s21] =	ssyncadd.s32 $0xFFFFFF00  }
0x162: {  	_ =	swait.ge [sflag:s21], $0x100  }
0x163: {  	[sflag:s21] =	ssyncset.done $0x0  }
0x164: {  	s5 =	simm.s32 $0xC820;
	[sflag:s21] =	ssyncadd.s32 $0xFFFFFF00  }
0x165: {  	[tilespmem:s20], [sflag:$0x3] =	stream.indirect.gather [spmem:s2], $0x1, s22, s17, $0xb8;
	[tilespmem:$0x1EE28] =	vst v63  }
0x166: {  	v0 =	vld [tilespmem:s5+$0xFFFFFFE0]  }
0x167: {  	v2 =	vld [tilespmem:s5+$0x10]  }
0x168: {  	v3 =	vld [tilespmem:s5+$0x0];
	_ =	sdelay $0x1  }
0x169: {  	v4 =	vld [tilespmem:s5+$0xFFFFFFF0]  }
0x16a: {  	s0 =	simm.s32 $0xC860;
	v5 =	vmul.f32 $8.000000000e+00, v0  }
0x16b: {  	v1 =	vld [tilespmem:s0+$0xFFFFFFE0];
	v6 =	vmul.f32 $8.000000000e+00, v2  }
0x16c: {  	v0 =	vld [tilespmem:s0+$0x10];
	[tilespmem:s5+$0xFFFFFFE0] =	vst v5;
	v5 =	vmul.f32 $8.000000000e+00, v3  }
0x16d: {  	v2 =	vld [tilespmem:s0+$0x0];
	[tilespmem:s5+$0x10] =	vst v6  }
0x16e: {  	s8 =	simm.s32 $0x4;
	v4 =	vmul.f32 $8.000000000e+00, v4;
	v3 =	vld [tilespmem:s0+$0xFFFFFFF0];
	[tilespmem:s5+$0x0] =	vst v5  }
.LBB2_19:
0x16f: {  	s8 =	sadd.s32 $0x4, s8  }
0x170: {  	[tilespmem:s5+$0xFFFFFFF0] =	vst v4;
	s5 =	smov.u32 s0;
	p2 =	slt.u32 s8, $0x18C  }
.Ltmp8:
0x171: {  	s0 =	sadd.s32 $0x40, s0;
	v4 =	vmul.f32 $8.000000000e+00, v1;
	(pc) =	sbr.rel @p2 .LBB2_19-.Ltmp8, $4  }
0x172: {  	v1 =	vld [tilespmem:s0+$0xFFFFFFE0];
	v5 =	vmul.f32 $8.000000000e+00, v0  }
0x173: {  	v0 =	vld [tilespmem:s0+$0x10];
	[tilespmem:s5+$0xFFFFFFE0] =	vst v4;
	v6 =	vmul.f32 $8.000000000e+00, v2  }
0x174: {  	v2 =	vld [tilespmem:s0+$0x0];
	v4 =	vmul.f32 $8.000000000e+00, v3;
	[tilespmem:s5+$0x10] =	vst v5  }
0x175: {  	v3 =	vld [tilespmem:s0+$0xFFFFFFF0];
	[tilespmem:s5+$0x0] =	vst v6  }
0x176: {  	_ = 	snop  }
0x177: {  	v1 =	vmul.f32 $8.000000000e+00, v1  }
0x178: {  	[tilespmem:s5+$0xFFFFFFF0] =	vst v4;
	v0 =	vmul.f32 $8.000000000e+00, v0  }
0x179: {  	[tilespmem:s0+$0xFFFFFFE0] =	vst v1;
	v62 =	vmul.f32 $8.000000000e+00, v2  }
0x17a: {  	v63 =	vmul.f32 $8.000000000e+00, v3;
	[tilespmem:s0+$0x10] =	vst v0  }
0x17b: {  	[tilespmem:s0+$0x0] =	vst v62  }
0x17c: {  	s31 =	simm.s32 $0xC800;
	[tilespmem:s0+$0xFFFFFFF0] =	vst v63;
	s0 =	simm.s32 $0x400  }
0x17d: {  	[hbm4b:s30+s13] =	stream.strided.scatter [tilespmem:s31], [sflag:$0x4], $0x100, s14, s13, $0x38;
	[tilespmem:$0x1EE28] =	vst v63  }
.LBB2_21:
0x17e: {  	p2 =	sne.s32 s0, $0x6000  }
.Ltmp9:
0x17f: {  	_ = 	snop;
	(pc) =	sbr.rel @p2 .LBB2_21-.Ltmp9, $4  }
0x180: {  	_ = 	snop  }
0x181: {  	s5 =	sshra.s32 s0, $0x2;
	s0 =	sadd.s32 $0x400, s0  }
0x182: {  	s30 =	sadd.s32 $0x8000, s30;
	s5 =	sadd.s32 $0xC800, s5  }
0x183: {  	[hbm4b:s30+s13] =	stream.strided.scatter [tilespmem:s5], [sflag:$0x4], $0x100, s14, s13, $0x38;
	[tilespmem:$0x1EE28] =	vst v63  }
0x184: {  	p2 =	sne.s32 s29, $0x1F  }
0x185: {  	p2 =	por !p1, !p2  }
0x186: {  	s29 =	sadd.s32 $0x1, s29;
	p2 =	por !p2, !p2  }
0x187: {  	s0 =	sadd.s32 @p2 s6, s29  }
0x188: {  	_ =	swait.ge [sflag:s19], $0x1900;
	s0 =	sshrl.u32 @p2 s0, $0x3  }
0x189: {  	[sflag:s19] =	ssyncset.done $0x0;
	s5 =	sshll.u32 @p2 s29, $0x7;
	s0 =	smul.u32 @p2 $0x7A1400, s0  }
0x18a: {  	[sflag:s19] =	ssyncadd.s32 $0xFFFFE700;
	s5 =	sand.u32 @p2 $0x380, s5  }
0x18b: {  	[bflag:$0x0] =	sbarrier.arrive $0xFFFF;
	s8 =	simm.s32 @p2 $0x1;
	s0 =	sor.u32 @p2 s5, s0  }
0x18c: {  	s9 =	simm.s32 @p2 $0x10;
	s16 =	simm.s32 @p2 $0x80;
	s0 =	sshrl.u32 @p2 s0, $0x3  }
0x18d: {  	s30 =	simm.s32 @p2 $0x1C01;
	s5 =	sshrl.u32 @p2 s2, $0x3;
	s0 =	sadd.s32 @p2 s1, s0  }
0x18e: {  	[spmem:s5@s9], [sflag:s30] =	dma.strided @p2 [hbm:s0@s16], $0x1E850, s8, $0x10   }
0x18f: {  	_ =	swait.ge [sflag:s21], $0x100  }
0x190: {  	[sflag:s21] =	ssyncset.done $0x0  }
0x191: {  	[sflag:s21] =	ssyncadd.s32 $0xFFFFFF00  }
0x192: {  	_ =	swait.ge [sflag:s21], $0x100  }
0x193: {  	[sflag:s21] =	ssyncset.done $0x0  }
0x194: {  	[sflag:s21] =	ssyncadd.s32 $0xFFFFFF00  }
0x195: {  	_ =	swait.ge [sflag:s21], $0x100  }
0x196: {  	[sflag:s21] =	ssyncset.done $0x0  }
0x197: {  	[sflag:s21] =	ssyncadd.s32 $0xFFFFFF00  }
0x198: {  	_ =	swait.ge [sflag:s21], $0x100  }
0x199: {  	[sflag:s21] =	ssyncset.done $0x0  }
0x19a: {  	[sflag:s21] =	ssyncadd.s32 $0xFFFFFF00  }
0x19b: {  	_ =	swait.ge [sflag:s21], $0x100  }
0x19c: {  	[sflag:s21] =	ssyncset.done $0x0  }
0x19d: {  	[sflag:s21] =	ssyncadd.s32 $0xFFFFFF00  }
0x19e: {  	_ =	swait.ge [sflag:s21], $0x100  }
0x19f: {  	[sflag:s21] =	ssyncset.done $0x0  }
0x1a0: {  	[sflag:s21] =	ssyncadd.s32 $0xFFFFFF00  }
0x1a1: {  	_ =	swait.ge [sflag:s21], $0x100  }
0x1a2: {  	[sflag:s21] =	ssyncset.done $0x0  }
0x1a3: {  	[sflag:s21] =	ssyncadd.s32 $0xFFFFFF00  }
0x1a4: {  	_ =	swait.ge [sflag:s21], $0x100  }
0x1a5: {  	[sflag:s21] =	ssyncset.done $0x0  }
0x1a6: {  	[sflag:s21] =	ssyncadd.s32 $0xFFFFFF00  }
0x1a7: {  	_ =	swait.ge [sflag:s21], $0x100  }
0x1a8: {  	[sflag:s21] =	ssyncset.done $0x0  }
0x1a9: {  	[sflag:s21] =	ssyncadd.s32 $0xFFFFFF00  }
0x1aa: {  	_ =	swait.ge [sflag:s21], $0x100  }
0x1ab: {  	[sflag:s21] =	ssyncset.done $0x0  }
0x1ac: {  	[sflag:s21] =	ssyncadd.s32 $0xFFFFFF00  }
0x1ad: {  	_ =	swait.ge [sflag:s21], $0x100  }
0x1ae: {  	[sflag:s21] =	ssyncset.done $0x0  }
0x1af: {  	[sflag:s21] =	ssyncadd.s32 $0xFFFFFF00  }
0x1b0: {  	_ =	swait.ge [sflag:s21], $0x100  }
0x1b1: {  	[sflag:s21] =	ssyncset.done $0x0  }
0x1b2: {  	[sflag:s21] =	ssyncadd.s32 $0xFFFFFF00  }
0x1b3: {  	_ =	swait.ge [sflag:s21], $0x100  }
0x1b4: {  	[sflag:s21] =	ssyncset.done $0x0  }
0x1b5: {  	[sflag:s21] =	ssyncadd.s32 $0xFFFFFF00  }
0x1b6: {  	_ =	swait.ge [sflag:s21], $0x100  }
0x1b7: {  	[sflag:s21] =	ssyncset.done $0x0  }
0x1b8: {  	[sflag:s21] =	ssyncadd.s32 $0xFFFFFF00  }
0x1b9: {  	_ =	swait.ge [sflag:s21], $0x100  }
0x1ba: {  	[sflag:s21] =	ssyncset.done $0x0  }
0x1bb: {  	[sflag:s21] =	ssyncadd.s32 $0xFFFFFF00  }
0x1bc: {  	_ =	swait.ge [sflag:s21], $0x100  }
0x1bd: {  	[sflag:s21] =	ssyncset.done $0x0  }
0x1be: {  	[sflag:s21] =	ssyncadd.s32 $0xFFFFFF00  }
0x1bf: {  	_ =	swait.ge [sflag:s21], $0x100  }
0x1c0: {  	[sflag:s21] =	ssyncset.done $0x0  }
0x1c1: {  	[sflag:s21] =	ssyncadd.s32 $0xFFFFFF00  }
0x1c2: {  	_ =	swait.ge [sflag:s21], $0x100  }
0x1c3: {  	[sflag:s21] =	ssyncset.done $0x0  }
0x1c4: {  	[sflag:s21] =	ssyncadd.s32 $0xFFFFFF00  }
0x1c5: {  	_ =	swait.ge [sflag:s21], $0x100  }
0x1c6: {  	[sflag:s21] =	ssyncset.done $0x0  }
0x1c7: {  	[sflag:s21] =	ssyncadd.s32 $0xFFFFFF00  }
0x1c8: {  	_ =	swait.ge [sflag:s21], $0x100  }
0x1c9: {  	[sflag:s21] =	ssyncset.done $0x0  }
0x1ca: {  	[sflag:s21] =	ssyncadd.s32 $0xFFFFFF00  }
0x1cb: {  	_ =	swait.ge [sflag:s21], $0x100  }
0x1cc: {  	[sflag:s21] =	ssyncset.done $0x0  }
0x1cd: {  	[sflag:s21] =	ssyncadd.s32 $0xFFFFFF00  }
0x1ce: {  	_ =	swait.ge [sflag:s21], $0x100  }
0x1cf: {  	[sflag:s21] =	ssyncset.done $0x0  }
0x1d0: {  	[sflag:s21] =	ssyncadd.s32 $0xFFFFFF00  }
0x1d1: {  	_ =	swait.ge [sflag:s21], $0x100  }
0x1d2: {  	[sflag:s21] =	ssyncset.done $0x0  }
0x1d3: {  	[sflag:s21] =	ssyncadd.s32 $0xFFFFFF00  }
0x1d4: {  	_ =	swait.ge [sflag:s21], $0x100  }
0x1d5: {  	[sflag:s21] =	ssyncset.done $0x0  }
0x1d6: {  	[sflag:s21] =	ssyncadd.s32 $0xFFFFFF00  }
0x1d7: {  	_ =	swait.ge [sflag:s21], $0x100  }
0x1d8: {  	[sflag:s21] =	ssyncset.done $0x0  }
0x1d9: {  	s5 =	simm.s32 $0xE120;
	[sflag:s21] =	ssyncadd.s32 $0xFFFFFF00  }
0x1da: {  	v0 =	vld [tilespmem:s5+$0xFFFFFFE0]  }
0x1db: {  	v2 =	vld [tilespmem:s5+$0x10]  }
0x1dc: {  	v3 =	vld [tilespmem:s5+$0x0];
	_ =	sdelay $0x1  }
0x1dd: {  	v4 =	vld [tilespmem:s5+$0xFFFFFFF0]  }
0x1de: {  	s0 =	simm.s32 $0xE160;
	v5 =	vmul.f32 $8.000000000e+00, v0  }
0x1df: {  	v1 =	vld [tilespmem:s0+$0xFFFFFFE0];
	v6 =	vmul.f32 $8.000000000e+00, v2  }
0x1e0: {  	v0 =	vld [tilespmem:s0+$0x10];
	[tilespmem:s5+$0xFFFFFFE0] =	vst v5;
	v5 =	vmul.f32 $8.000000000e+00, v3  }
0x1e1: {  	v2 =	vld [tilespmem:s0+$0x0];
	[tilespmem:s5+$0x10] =	vst v6  }
0x1e2: {  	s8 =	simm.s32 $0x4;
	v4 =	vmul.f32 $8.000000000e+00, v4;
	v3 =	vld [tilespmem:s0+$0xFFFFFFF0];
	[tilespmem:s5+$0x0] =	vst v5  }
.LBB2_23:
0x1e3: {  	s8 =	sadd.s32 $0x4, s8  }
0x1e4: {  	[tilespmem:s5+$0xFFFFFFF0] =	vst v4;
	s5 =	smov.u32 s0;
	p3 =	slt.u32 s8, $0x18C  }
.Ltmp10:
0x1e5: {  	s0 =	sadd.s32 $0x40, s0;
	v4 =	vmul.f32 $8.000000000e+00, v1;
	(pc) =	sbr.rel @p3 .LBB2_23-.Ltmp10, $4  }
0x1e6: {  	v1 =	vld [tilespmem:s0+$0xFFFFFFE0];
	v5 =	vmul.f32 $8.000000000e+00, v0  }
0x1e7: {  	v0 =	vld [tilespmem:s0+$0x10];
	[tilespmem:s5+$0xFFFFFFE0] =	vst v4;
	v6 =	vmul.f32 $8.000000000e+00, v2  }
0x1e8: {  	v2 =	vld [tilespmem:s0+$0x0];
	v4 =	vmul.f32 $8.000000000e+00, v3;
	[tilespmem:s5+$0x10] =	vst v5  }
0x1e9: {  	v3 =	vld [tilespmem:s0+$0xFFFFFFF0];
	[tilespmem:s5+$0x0] =	vst v6  }
0x1ea: {  	_ = 	snop  }
0x1eb: {  	v1 =	vmul.f32 $8.000000000e+00, v1  }
0x1ec: {  	[tilespmem:s5+$0xFFFFFFF0] =	vst v4;
	v0 =	vmul.f32 $8.000000000e+00, v0  }
0x1ed: {  	[tilespmem:s0+$0xFFFFFFE0] =	vst v1;
	v62 =	vmul.f32 $8.000000000e+00, v2  }
0x1ee: {  	v63 =	vmul.f32 $8.000000000e+00, v3;
	[tilespmem:s0+$0x10] =	vst v0  }
0x1ef: {  	[tilespmem:s0+$0x0] =	vst v62  }
0x1f0: {  	s31 =	simm.s32 $0xE100;
	[tilespmem:s0+$0xFFFFFFF0] =	vst v63;
	s0 =	simm.s32 $0x400  }
0x1f1: {  	[hbm4b:s28+s13] =	stream.strided.scatter [tilespmem:s31], [sflag:$0x4], $0x100, s14, s13, $0x38;
	[tilespmem:$0x1EE28] =	vst v63  }
.LBB2_25:
0x1f2: {  	p3 =	sne.s32 s0, $0x6000  }
.Ltmp11:
0x1f3: {  	_ = 	snop;
	(pc) =	sbr.rel @p3 .LBB2_25-.Ltmp11, $4  }
0x1f4: {  	_ = 	snop  }
0x1f5: {  	s5 =	sshra.s32 s0, $0x2;
	s0 =	sadd.s32 $0x400, s0  }
0x1f6: {  	s28 =	sadd.s32 $0x8000, s28;
	s5 =	sadd.s32 $0xE100, s5  }
0x1f7: {  	[hbm4b:s28+s13] =	stream.strided.scatter [tilespmem:s5], [sflag:$0x4], $0x100, s14, s13, $0x38;
	[tilespmem:$0x1EE28] =	vst v63  }
0x1f8: {  	_ =	swait.ge [sflag:s21], $0x100  }
0x1f9: {  	[sflag:s21] =	ssyncset.done $0x0  }
0x1fa: {  	[sflag:s21] =	ssyncadd.s32 $0xFFFFFF00  }
0x1fb: {  	_ =	swait.ge [sflag:s21], $0x100  }
0x1fc: {  	[sflag:s21] =	ssyncset.done $0x0  }
0x1fd: {  	[sflag:s21] =	ssyncadd.s32 $0xFFFFFF00  }
0x1fe: {  	_ =	swait.ge [sflag:s21], $0x100  }
0x1ff: {  	[sflag:s21] =	ssyncset.done $0x0  }
0x200: {  	[sflag:s21] =	ssyncadd.s32 $0xFFFFFF00  }
0x201: {  	_ =	swait.ge [sflag:s21], $0x100  }
0x202: {  	[sflag:s21] =	ssyncset.done $0x0  }
0x203: {  	[sflag:s21] =	ssyncadd.s32 $0xFFFFFF00  }
0x204: {  	_ =	swait.ge [sflag:s21], $0x100  }
0x205: {  	[sflag:s21] =	ssyncset.done $0x0  }
0x206: {  	[sflag:s21] =	ssyncadd.s32 $0xFFFFFF00  }
0x207: {  	_ =	swait.ge [sflag:s21], $0x100  }
0x208: {  	[sflag:s21] =	ssyncset.done $0x0  }
0x209: {  	[sflag:s21] =	ssyncadd.s32 $0xFFFFFF00  }
0x20a: {  	_ =	swait.ge [sflag:s21], $0x100  }
0x20b: {  	[sflag:s21] =	ssyncset.done $0x0  }
0x20c: {  	[sflag:s21] =	ssyncadd.s32 $0xFFFFFF00  }
0x20d: {  	_ =	swait.ge [sflag:s21], $0x100  }
0x20e: {  	[sflag:s21] =	ssyncset.done $0x0  }
0x20f: {  	[sflag:s21] =	ssyncadd.s32 $0xFFFFFF00  }
0x210: {  	_ =	swait.ge [sflag:s21], $0x100  }
0x211: {  	[sflag:s21] =	ssyncset.done $0x0  }
0x212: {  	[sflag:s21] =	ssyncadd.s32 $0xFFFFFF00  }
0x213: {  	_ =	swait.ge [sflag:s21], $0x100  }
0x214: {  	[sflag:s21] =	ssyncset.done $0x0  }
0x215: {  	[sflag:s21] =	ssyncadd.s32 $0xFFFFFF00  }
0x216: {  	_ =	swait.ge [sflag:s21], $0x100  }
0x217: {  	[sflag:s21] =	ssyncset.done $0x0  }
0x218: {  	[sflag:s21] =	ssyncadd.s32 $0xFFFFFF00  }
0x219: {  	_ =	swait.ge [sflag:s21], $0x100  }
0x21a: {  	[sflag:s21] =	ssyncset.done $0x0  }
0x21b: {  	[sflag:s21] =	ssyncadd.s32 $0xFFFFFF00  }
0x21c: {  	_ =	swait.ge [sflag:s21], $0x100  }
0x21d: {  	[sflag:s21] =	ssyncset.done $0x0  }
0x21e: {  	[sflag:s21] =	ssyncadd.s32 $0xFFFFFF00  }
0x21f: {  	_ =	swait.ge [sflag:s21], $0x100  }
0x220: {  	[sflag:s21] =	ssyncset.done $0x0  }
0x221: {  	[sflag:s21] =	ssyncadd.s32 $0xFFFFFF00  }
0x222: {  	_ =	swait.ge [sflag:s21], $0x100  }
0x223: {  	[sflag:s21] =	ssyncset.done $0x0  }
0x224: {  	[sflag:s21] =	ssyncadd.s32 $0xFFFFFF00  }
0x225: {  	_ =	swait.ge [sflag:s21], $0x100  }
0x226: {  	[sflag:s21] =	ssyncset.done $0x0  }
0x227: {  	[sflag:s21] =	ssyncadd.s32 $0xFFFFFF00  }
0x228: {  	_ =	swait.ge [sflag:s21], $0x100  }
0x229: {  	[sflag:s21] =	ssyncset.done $0x0  }
0x22a: {  	[sflag:s21] =	ssyncadd.s32 $0xFFFFFF00  }
0x22b: {  	_ =	swait.ge [sflag:s21], $0x100  }
0x22c: {  	[sflag:s21] =	ssyncset.done $0x0  }
0x22d: {  	[sflag:s21] =	ssyncadd.s32 $0xFFFFFF00  }
0x22e: {  	_ =	swait.ge [sflag:s21], $0x100  }
0x22f: {  	[sflag:s21] =	ssyncset.done $0x0  }
0x230: {  	[sflag:s21] =	ssyncadd.s32 $0xFFFFFF00  }
0x231: {  	_ =	swait.ge [sflag:s21], $0x100  }
0x232: {  	[sflag:s21] =	ssyncset.done $0x0  }
0x233: {  	[sflag:s21] =	ssyncadd.s32 $0xFFFFFF00  }
0x234: {  	_ =	swait.ge [sflag:s21], $0x100  }
0x235: {  	[sflag:s21] =	ssyncset.done $0x0  }
0x236: {  	[sflag:s21] =	ssyncadd.s32 $0xFFFFFF00  }
0x237: {  	_ =	swait.ge [sflag:s21], $0x100  }
0x238: {  	[sflag:s21] =	ssyncset.done $0x0  }
0x239: {  	[sflag:s21] =	ssyncadd.s32 $0xFFFFFF00  }
0x23a: {  	_ =	swait.ge [sflag:s21], $0x100  }
0x23b: {  	[sflag:s21] =	ssyncset.done $0x0  }
0x23c: {  	[sflag:s21] =	ssyncadd.s32 $0xFFFFFF00  }
0x23d: {  	_ =	swait.ge [sflag:s21], $0x100  }
0x23e: {  	[sflag:s21] =	ssyncset.done $0x0  }
0x23f: {  	[sflag:s21] =	ssyncadd.s32 $0xFFFFFF00  }
0x240: {  	_ =	swait.ge [sflag:s21], $0x100  }
0x241: {  	[sflag:s21] =	ssyncset.done $0x0  }
0x242: {  	s0 =	simm.s32 @p2 $0x1;
	[sflag:s21] =	ssyncadd.s32 $0xFFFFFF00  }
0x243: {  	_ =	swait.ge @p2 [sflag:s0], $0x1E850  }
0x244: {  	[sflag:s0] =	ssyncset.done @p2 $0x0  }
0x245: {  	[sflag:s0] =	ssyncadd.s32 @p2 $0xFFFE17B0;
	p2 =	sne.s32 s29, $0x20  }
.Ltmp12:
0x246: {  	_ = 	snop;
	(pc) =	sbr.rel @p2 .LBB2_6-.Ltmp12, $3  }
0x247: {  	_ =	sdelay $0x1  }
0x248: {  	[bflag:$0x0] =	sbarrier.arrive $0xFFFF  }
0x249: {  	s26 =	sadd.s32 $0x200, s26;
	s25 =	sadd.s32 $0x1, s25  }
0x24a: {  	s23 =	sadd.s32 $0x1, s23;
	s0 =	rddreg [dreg:$0x6]  }
0x24b: {  	p2 =	sne.s32 s23, s0  }
.Ltmp13:
0x24c: {  	_ = 	snop;
	(pc) =	sbr.rel @p2 .LBB2_1-.Ltmp13, $1  }
0x24d: {  	_ =	sdelay $0x3  }
0x24e: {  	_ =	sfence.sel $0x180000  }
0x24f: {  	[bflag:$0x0] =	sbarrier.arrive $0xFFFF  }
0x250: {  	_ =	strace $0x90000047  }
0x251: {  	[bflag:$0x2] =	sbarrier.arrive $0xFFFF  }
0x252: {  	s0 =	rddreg [dreg:$0x4]  }
0x253: {  	s0 =	sadd.s32 @!p0 $0x100000, s0  }
0x254: {  	[sflag:s0] =	ssyncadd.tile.s32 @!p0 $0x1;
	_ =	shalt  }
.Lfunc_end2:
_tile_overlayer_lowered:
.L_overlay_start_2:
0x255: {  	(tag) =	ssettag $0x2  }
0x256: {  	s0 =	rddreg [dreg:$0x0];
	s2 =	stileid.u32  }
0x257: {  	s1 =	rddreg [dreg:$0x1];
	p0 =	sne.s32 s2, $0x0  }
0x258: {  	s3 =	rddreg [dreg:$0x2];
	[bflag:$0x3] =	sbarrier.arrive $0xFFFF;
	s2 =	simm.s32 @!p0 $0x1C05  }
0x259: {  	[timem:s3], [sflag:s2] =	dma.local @!p0 [hbm:s0], s1  }
0x25a: {  	s0 =	simm.s32 @!p0 $0x5  }
0x25b: {  	_ =	swait.ge @!p0 [sflag:s0], s1  }
0x25c: {  	s1 =	ssub.s32 @!p0 $0x0, s1;
	[sflag:s0] =	ssyncset.done @!p0 $0x0  }
0x25d: {  	[sflag:s0] =	ssyncadd.s32 @!p0 s1  }
0x25e: {  	[bflag:$0x3] =	sbarrier.arrive $0xFFFF  }
0x25f: {  	_ =	shalt  }

</sc_bundles>
